<compile_context>
chip_gen: v7x
topology: tpu7x:2x2x1
jax: 0.10.2.dev20260603
libtpu: 0.0.44.dev20260713+nightly
codegen_flags: <defaults>
</compile_context>

<pallas_src>
import functools

import jax
import jax.numpy as jnp
from jax import lax
from jax.experimental import pallas as pl
from jax.experimental.pallas import tpu as pltpu
from jax.experimental.pallas import tpu_sc as plsc

_LANES = 16
_CHUNK = 8000


@functools.cache
def _make_sc_kernel(n: int, chunk: int):
    num_chunks = n // chunk
    info = plsc.get_sparse_core_info()
    nc, ns = info.num_cores, info.num_subcores
    nw = nc * ns
    nvec = chunk // _LANES
    nbuf = 4
    max_j = -(-num_chunks // nw)
    max_j += (-max_j) % nbuf
    mesh = plsc.VectorSubcoreMesh(core_axis_name="c", subcore_axis_name="s")

    @functools.partial(
        pl.kernel,
        mesh=mesh,
        out_type=jax.ShapeDtypeStruct((n,), jnp.float32),
        scratch_types=[
            pltpu.VMEM((_LANES,), jnp.float32),
            pltpu.VMEM((_LANES,), jnp.float32),
            [pltpu.VMEM((chunk,), jnp.float32)] * nbuf,
            [pltpu.VMEM((chunk,), jnp.int32)] * nbuf,
            [pltpu.VMEM((chunk,), jnp.float32)] * nbuf,
            [pltpu.SemaphoreType.DMA] * nbuf,
            [pltpu.SemaphoreType.DMA] * nbuf,
            [pltpu.SemaphoreType.DMA] * nbuf,
        ],
    )
    def k(x_hbm, head_hbm, scale_hbm, shift_hbm, out_hbm,
          scale_v, shift_v, xv, hv, yv, xsems, hsems, ysems):
        wid = lax.axis_index("s") * nc + lax.axis_index("c")
        pltpu.sync_copy(scale_hbm, scale_v.at[pl.ds(0, 4)])
        pltpu.sync_copy(shift_hbm, shift_v.at[pl.ds(0, 4)])
        sv = scale_v[...]
        tv = shift_v[...]

        def in_copies(j, b):
            base = (wid + j * nw) * chunk
            return (
                pltpu.make_async_copy(
                    x_hbm.at[pl.ds(base, chunk)], xv[b], xsems[b]),
                pltpu.make_async_copy(
                    head_hbm.at[pl.ds(base, chunk)], hv[b], hsems[b]),
            )

        def out_copy(j, b):
            base = (wid + j * nw) * chunk
            return pltpu.make_async_copy(
                yv[b], out_hbm.at[pl.ds(base, chunk)], ysems[b])

        def valid(j):
            return wid + j * nw < num_chunks

        for b in range(nbuf):
            @pl.when(valid(b))
            def _(b=b):
                for c in in_copies(b, b):
                    c.start()

        @pl.loop(0, max_j, step=nbuf)
        def _(jj):
            for b in range(nbuf):
                j = jj + b

                @pl.when(valid(j))
                def _(j=j, b=b):
                    for c in in_copies(j, b):
                        c.wait()

                    @pl.when(j >= nbuf)
                    def _():
                        out_copy(j - nbuf, b).wait()

                    @plsc.parallel_loop(0, chunk, step=_LANES, unroll=4)
                    def _(off, b=b):
                        idx = hv[b][pl.ds(off, _LANES)]
                        s = sv.at[idx].get(mode="promise_in_bounds")
                        t = tv.at[idx].get(mode="promise_in_bounds")
                        yv[b][pl.ds(off, _LANES)] = (
                            s * xv[b][pl.ds(off, _LANES)] + t)

                    out_copy(j, b).start()

                    @pl.when(valid(j + nbuf))
                    def _():
                        for c in in_copies(j + nbuf, b):
                            c.start()

        my_j = (num_chunks - wid + nw - 1) // nw
        for b in range(nbuf):
            @pl.when(my_j >= b + 1)
            def _(b=b):
                jb = ((my_j - 1 - b) // nbuf) * nbuf + b
                out_copy(jb, b).wait()

    return k


def kernel(x, head, scale, shift):
    n = x.shape[0]
    head = head.astype(jnp.int32)
    scale = jnp.atleast_1d(scale).astype(jnp.float32)
    shift = jnp.atleast_1d(shift).astype(jnp.float32)
    return _make_sc_kernel(n, _CHUNK)(x, head, scale, shift)

# --- scband reference (transcript-rebuilt; emitter-appended) ---
"""Pipeline reference for scband-scale-shift-block-84129819394067 (READ-ONLY COPY).

The authoritative reference and input builder live on the scoring server;
editing this copy changes nothing except your own understanding.
"""

import jax, jax.numpy as jnp
import numpy as np

N = 5000000
NUM_HEADS = 4

def setup_inputs(seed: int = 0) -> dict:
    key = jax.random.key(seed)
    k1, k2 = jax.random.split(key)
    x = jax.random.normal(k1, (N,), dtype=jnp.float32)
    head = jax.random.randint(k2, (N,), 0, NUM_HEADS, dtype=jnp.int64)
    scale = jnp.array([1.2034, 0.8771, 1.5502, 0.9413], dtype=jnp.float32)
    shift = jnp.array([-0.1532, 0.0421, 0.3318, -0.2764], dtype=jnp.float32)
    return {"x": x, "head": head, "scale": scale, "shift": shift}

def reference(x, head, scale, shift):
    scale_h = jnp.atleast_1d(scale)[head]
    shift_h = jnp.atleast_1d(shift)[head]
    return scale_h * x + shift_h

if __name__ == "__main__":
    import jax
    _d = setup_inputs()
    print(jax.jit(kernel)(*tuple(_d.values())))

</pallas_src>

<mosaic_0001>
#map = affine_map<(d0, d1) -> (0)>
module attributes {stable_mosaic.version = 14 : i64} {
  func.func @k(%arg0: i32, %arg1: i32, %arg2: memref<5000000xf32, #tpu.memory_space<hbm>>, %arg3: memref<5000000xi32, #tpu.memory_space<hbm>>, %arg4: memref<4xf32, #tpu.memory_space<hbm>>, %arg5: memref<4xf32, #tpu.memory_space<hbm>>, %arg6: memref<5000000xf32, #tpu.memory_space<hbm>>, %arg7: memref<16xf32, #tpu.memory_space<vmem>>, %arg8: memref<16xf32, #tpu.memory_space<vmem>>, %arg9: memref<8000xf32, #tpu.memory_space<vmem>>, %arg10: memref<8000xf32, #tpu.memory_space<vmem>>, %arg11: memref<8000xf32, #tpu.memory_space<vmem>>, %arg12: memref<8000xf32, #tpu.memory_space<vmem>>, %arg13: memref<8000xi32, #tpu.memory_space<vmem>>, %arg14: memref<8000xi32, #tpu.memory_space<vmem>>, %arg15: memref<8000xi32, #tpu.memory_space<vmem>>, %arg16: memref<8000xi32, #tpu.memory_space<vmem>>, %arg17: memref<8000xf32, #tpu.memory_space<vmem>>, %arg18: memref<8000xf32, #tpu.memory_space<vmem>>, %arg19: memref<8000xf32, #tpu.memory_space<vmem>>, %arg20: memref<8000xf32, #tpu.memory_space<vmem>>, %arg21: memref<!tpu.dma_semaphore, #tpu.memory_space<semaphore_mem>>, %arg22: memref<!tpu.dma_semaphore, #tpu.memory_space<semaphore_mem>>, %arg23: memref<!tpu.dma_semaphore, #tpu.memory_space<semaphore_mem>>, %arg24: memref<!tpu.dma_semaphore, #tpu.memory_space<semaphore_mem>>, %arg25: memref<!tpu.dma_semaphore, #tpu.memory_space<semaphore_mem>>, %arg26: memref<!tpu.dma_semaphore, #tpu.memory_space<semaphore_mem>>, %arg27: memref<!tpu.dma_semaphore, #tpu.memory_space<semaphore_mem>>, %arg28: memref<!tpu.dma_semaphore, #tpu.memory_space<semaphore_mem>>, %arg29: memref<!tpu.dma_semaphore, #tpu.memory_space<semaphore_mem>>, %arg30: memref<!tpu.dma_semaphore, #tpu.memory_space<semaphore_mem>>, %arg31: memref<!tpu.dma_semaphore, #tpu.memory_space<semaphore_mem>>, %arg32: memref<!tpu.dma_semaphore, #tpu.memory_space<semaphore_mem>>) attributes {dimension_semantics = [#tpu.dimension_semantics<core_parallel>, #tpu.dimension_semantics<subcore_parallel>], iteration_bounds = array<i64: 2, 16>, scalar_prefetch = 0 : i64, scratch_operands = 26 : i64, tpu.core_type = #tpu.core_type<sc_vector_subcore>, window_params = [{transform_indices = #map}, {transform_indices = #map}, {transform_indices = #map}, {transform_indices = #map}, {transform_indices = #map}]} {
    %mul3A = arith.constant 2 : i32
    %mul3A_0 = arith.muli %arg1, %mul3A : i32
    %add3A = arith.addi %mul3A_0, %arg0 : i32
    "tpu.region"() ({
      %run_scoped3A = tpu.sem_alloc : memref<!tpu.dma_semaphore, #tpu.memory_space<semaphore_mem>>
      %dma_start3A = arith.constant 0 : i32
      %dma_start3A_76 = tpu.memref_slice %arg7[%dma_start3A] : memref<16xf32, #tpu.memory_space<vmem>> -> memref<4xf32, #tpu.memory_space<vmem>>
      %dma_start3A_77 = arith.constant 0 : i32
      %dma_start3A_78 = tpu.memref_slice %arg7[%dma_start3A_77] : memref<16xf32, #tpu.memory_space<vmem>> -> memref<4xf32, #tpu.memory_space<vmem>>
      tpu.enqueue_dma source(%arg4 : memref<4xf32, #tpu.memory_space<hbm>>) target(%dma_start3A_78 : memref<4xf32, #tpu.memory_space<vmem>>) target_semaphore(%run_scoped3A : memref<!tpu.dma_semaphore, #tpu.memory_space<semaphore_mem>>)
      %dma_wait3A = arith.constant 0 : i32
      %dma_wait3A_79 = tpu.memref_slice %arg7[%dma_wait3A] : memref<16xf32, #tpu.memory_space<vmem>> -> memref<4xf32, #tpu.memory_space<vmem>>
      %dma_wait3A_80 = arith.constant 0 : i32
      %dma_wait3A_81 = tpu.memref_slice %arg7[%dma_wait3A_80] : memref<16xf32, #tpu.memory_space<vmem>> -> memref<4xf32, #tpu.memory_space<vmem>>
      tpu.wait_dma2 semaphore(%run_scoped3A : memref<!tpu.dma_semaphore, #tpu.memory_space<semaphore_mem>>) src(%arg4 : memref<4xf32, #tpu.memory_space<hbm>>) dst(%dma_wait3A_81 : memref<4xf32, #tpu.memory_space<vmem>>)
      tpu.yield
    }) : () -> ()
    "tpu.region"() ({
      %run_scoped3A = tpu.sem_alloc : memref<!tpu.dma_semaphore, #tpu.memory_space<semaphore_mem>>
      %dma_start3A = arith.constant 0 : i32
      %dma_start3A_76 = tpu.memref_slice %arg8[%dma_start3A] : memref<16xf32, #tpu.memory_space<vmem>> -> memref<4xf32, #tpu.memory_space<vmem>>
      %dma_start3A_77 = arith.constant 0 : i32
      %dma_start3A_78 = tpu.memref_slice %arg8[%dma_start3A_77] : memref<16xf32, #tpu.memory_space<vmem>> -> memref<4xf32, #tpu.memory_space<vmem>>
      tpu.enqueue_dma source(%arg5 : memref<4xf32, #tpu.memory_space<hbm>>) target(%dma_start3A_78 : memref<4xf32, #tpu.memory_space<vmem>>) target_semaphore(%run_scoped3A : memref<!tpu.dma_semaphore, #tpu.memory_space<semaphore_mem>>)
      %dma_wait3A = arith.constant 0 : i32
      %dma_wait3A_79 = tpu.memref_slice %arg8[%dma_wait3A] : memref<16xf32, #tpu.memory_space<vmem>> -> memref<4xf32, #tpu.memory_space<vmem>>
      %dma_wait3A_80 = arith.constant 0 : i32
      %dma_wait3A_81 = tpu.memref_slice %arg8[%dma_wait3A_80] : memref<16xf32, #tpu.memory_space<vmem>> -> memref<4xf32, #tpu.memory_space<vmem>>
      tpu.wait_dma2 semaphore(%run_scoped3A : memref<!tpu.dma_semaphore, #tpu.memory_space<semaphore_mem>>) src(%arg5 : memref<4xf32, #tpu.memory_space<hbm>>) dst(%dma_wait3A_81 : memref<4xf32, #tpu.memory_space<vmem>>)
      tpu.yield
    }) : () -> ()
    %get3A = arith.constant 0 : index
    %get3A_1 = tpu.vector_load %arg7[%get3A] {strides = array<i32>} : memref<16xf32, #tpu.memory_space<vmem>>, vector<16xf32>,
    %get3A_2 = vector.shape_cast %get3A_1 : vector<16xf32> to vector<16xf32>
    %get3A_3 = arith.constant 0 : index
    %get3A_4 = tpu.vector_load %arg8[%get3A_3] {strides = array<i32>} : memref<16xf32, #tpu.memory_space<vmem>>, vector<16xf32>,
    %get3A_5 = vector.shape_cast %get3A_4 : vector<16xf32> to vector<16xf32>
    %add3A_6 = arith.constant 0 : i32
    %add3A_7 = arith.addi %add3A, %add3A_6 : i32
    %lt3A = arith.constant 625 : i32
    %lt3A_8 = arith.cmpi slt, %add3A_7, %lt3A : i32
    %convert_element_type3A = arith.extui %lt3A_8 : i1 to i32
    %cond3A = arith.constant 0 : i32
    %cond3A_9 = arith.cmpi ne, %convert_element_type3A, %cond3A : i32
    scf.if %cond3A_9 {
      %add3A_76 = arith.constant 0 : i32
      %add3A_77 = arith.addi %add3A, %add3A_76 : i32
      %mul3A_78 = arith.constant 8000 : i32
      %mul3A_79 = arith.muli %add3A_77, %mul3A_78 : i32
      %dma_start3A = tpu.memref_slice %arg2[%mul3A_79] : memref<5000000xf32, #tpu.memory_space<hbm>> -> memref<8000xf32, #tpu.memory_space<hbm>>
      %dma_start3A_80 = tpu.memref_slice %arg2[%mul3A_79] : memref<5000000xf32, #tpu.memory_space<hbm>> -> memref<8000xf32, #tpu.memory_space<hbm>>
      tpu.enqueue_dma source(%dma_start3A_80 : memref<8000xf32, #tpu.memory_space<hbm>>) target(%arg9 : memref<8000xf32, #tpu.memory_space<vmem>>) target_semaphore(%arg21 : memref<!tpu.dma_semaphore, #tpu.memory_space<semaphore_mem>>)
      %dma_start3A_81 = tpu.memref_slice %arg3[%mul3A_79] : memref<5000000xi32, #tpu.memory_space<hbm>> -> memref<8000xi32, #tpu.memory_space<hbm>>
      %dma_start3A_82 = tpu.memref_slice %arg3[%mul3A_79] : memref<5000000xi32, #tpu.memory_space<hbm>> -> memref<8000xi32, #tpu.memory_space<hbm>>
      tpu.enqueue_dma source(%dma_start3A_82 : memref<8000xi32, #tpu.memory_space<hbm>>) target(%arg13 : memref<8000xi32, #tpu.memory_space<vmem>>) target_semaphore(%arg25 : memref<!tpu.dma_semaphore, #tpu.memory_space<semaphore_mem>>)
    } else {
    }
    %add3A_10 = arith.constant 32 : i32
    %add3A_11 = arith.addi %add3A, %add3A_10 : i32
    %lt3A_12 = arith.constant 625 : i32
    %lt3A_13 = arith.cmpi slt, %add3A_11, %lt3A_12 : i32
    %convert_element_type3A_14 = arith.extui %lt3A_13 : i1 to i32
    %cond3A_15 = arith.constant 0 : i32
    %cond3A_16 = arith.cmpi ne, %convert_element_type3A_14, %cond3A_15 : i32
    scf.if %cond3A_16 {
      %add3A_76 = arith.constant 32 : i32
      %add3A_77 = arith.addi %add3A, %add3A_76 : i32
      %mul3A_78 = arith.constant 8000 : i32
      %mul3A_79 = arith.muli %add3A_77, %mul3A_78 : i32
      %dma_start3A = tpu.memref_slice %arg2[%mul3A_79] : memref<5000000xf32, #tpu.memory_space<hbm>> -> memref<8000xf32, #tpu.memory_space<hbm>>
      %dma_start3A_80 = tpu.memref_slice %arg2[%mul3A_79] : memref<5000000xf32, #tpu.memory_space<hbm>> -> memref<8000xf32, #tpu.memory_space<hbm>>
      tpu.enqueue_dma source(%dma_start3A_80 : memref<8000xf32, #tpu.memory_space<hbm>>) target(%arg10 : memref<8000xf32, #tpu.memory_space<vmem>>) target_semaphore(%arg22 : memref<!tpu.dma_semaphore, #tpu.memory_space<semaphore_mem>>)
      %dma_start3A_81 = tpu.memref_slice %arg3[%mul3A_79] : memref<5000000xi32, #tpu.memory_space<hbm>> -> memref<8000xi32, #tpu.memory_space<hbm>>
      %dma_start3A_82 = tpu.memref_slice %arg3[%mul3A_79] : memref<5000000xi32, #tpu.memory_space<hbm>> -> memref<8000xi32, #tpu.memory_space<hbm>>
      tpu.enqueue_dma source(%dma_start3A_82 : memref<8000xi32, #tpu.memory_space<hbm>>) target(%arg14 : memref<8000xi32, #tpu.memory_space<vmem>>) target_semaphore(%arg26 : memref<!tpu.dma_semaphore, #tpu.memory_space<semaphore_mem>>)
    } else {
    }
    %add3A_17 = arith.constant 64 : i32
    %add3A_18 = arith.addi %add3A, %add3A_17 : i32
    %lt3A_19 = arith.constant 625 : i32
    %lt3A_20 = arith.cmpi slt, %add3A_18, %lt3A_19 : i32
    %convert_element_type3A_21 = arith.extui %lt3A_20 : i1 to i32
    %cond3A_22 = arith.constant 0 : i32
    %cond3A_23 = arith.cmpi ne, %convert_element_type3A_21, %cond3A_22 : i32
    scf.if %cond3A_23 {
      %add3A_76 = arith.constant 64 : i32
      %add3A_77 = arith.addi %add3A, %add3A_76 : i32
      %mul3A_78 = arith.constant 8000 : i32
      %mul3A_79 = arith.muli %add3A_77, %mul3A_78 : i32
      %dma_start3A = tpu.memref_slice %arg2[%mul3A_79] : memref<5000000xf32, #tpu.memory_space<hbm>> -> memref<8000xf32, #tpu.memory_space<hbm>>
      %dma_start3A_80 = tpu.memref_slice %arg2[%mul3A_79] : memref<5000000xf32, #tpu.memory_space<hbm>> -> memref<8000xf32, #tpu.memory_space<hbm>>
      tpu.enqueue_dma source(%dma_start3A_80 : memref<8000xf32, #tpu.memory_space<hbm>>) target(%arg11 : memref<8000xf32, #tpu.memory_space<vmem>>) target_semaphore(%arg23 : memref<!tpu.dma_semaphore, #tpu.memory_space<semaphore_mem>>)
      %dma_start3A_81 = tpu.memref_slice %arg3[%mul3A_79] : memref<5000000xi32, #tpu.memory_space<hbm>> -> memref<8000xi32, #tpu.memory_space<hbm>>
      %dma_start3A_82 = tpu.memref_slice %arg3[%mul3A_79] : memref<5000000xi32, #tpu.memory_space<hbm>> -> memref<8000xi32, #tpu.memory_space<hbm>>
      tpu.enqueue_dma source(%dma_start3A_82 : memref<8000xi32, #tpu.memory_space<hbm>>) target(%arg15 : memref<8000xi32, #tpu.memory_space<vmem>>) target_semaphore(%arg27 : memref<!tpu.dma_semaphore, #tpu.memory_space<semaphore_mem>>)
    } else {
    }
    %add3A_24 = arith.constant 96 : i32
    %add3A_25 = arith.addi %add3A, %add3A_24 : i32
    %lt3A_26 = arith.constant 625 : i32
    %lt3A_27 = arith.cmpi slt, %add3A_25, %lt3A_26 : i32
    %convert_element_type3A_28 = arith.extui %lt3A_27 : i1 to i32
    %cond3A_29 = arith.constant 0 : i32
    %cond3A_30 = arith.cmpi ne, %convert_element_type3A_28, %cond3A_29 : i32
    scf.if %cond3A_30 {
      %add3A_76 = arith.constant 96 : i32
      %add3A_77 = arith.addi %add3A, %add3A_76 : i32
      %mul3A_78 = arith.constant 8000 : i32
      %mul3A_79 = arith.muli %add3A_77, %mul3A_78 : i32
      %dma_start3A = tpu.memref_slice %arg2[%mul3A_79] : memref<5000000xf32, #tpu.memory_space<hbm>> -> memref<8000xf32, #tpu.memory_space<hbm>>
      %dma_start3A_80 = tpu.memref_slice %arg2[%mul3A_79] : memref<5000000xf32, #tpu.memory_space<hbm>> -> memref<8000xf32, #tpu.memory_space<hbm>>
      tpu.enqueue_dma source(%dma_start3A_80 : memref<8000xf32, #tpu.memory_space<hbm>>) target(%arg12 : memref<8000xf32, #tpu.memory_space<vmem>>) target_semaphore(%arg24 : memref<!tpu.dma_semaphore, #tpu.memory_space<semaphore_mem>>)
      %dma_start3A_81 = tpu.memref_slice %arg3[%mul3A_79] : memref<5000000xi32, #tpu.memory_space<hbm>> -> memref<8000xi32, #tpu.memory_space<hbm>>
      %dma_start3A_82 = tpu.memref_slice %arg3[%mul3A_79] : memref<5000000xi32, #tpu.memory_space<hbm>> -> memref<8000xi32, #tpu.memory_space<hbm>>
      tpu.enqueue_dma source(%dma_start3A_82 : memref<8000xi32, #tpu.memory_space<hbm>>) target(%arg16 : memref<8000xi32, #tpu.memory_space<vmem>>) target_semaphore(%arg28 : memref<!tpu.dma_semaphore, #tpu.memory_space<semaphore_mem>>)
    } else {
    }
    %scan3A = arith.constant 0 : i32
    %scan3A_31 = arith.constant 5 : i32
    %scan3A_32 = arith.addi %scan3A, %scan3A_31 : i32
    %scan3A_33 = arith.constant 1 : i32
    scf.for %scan3A_76 = %scan3A to %scan3A_32 step %scan3A_33  : i32 {
      %mul3A_77 = arith.constant 4 : i32
      %mul3A_78 = arith.muli %scan3A_76, %mul3A_77 : i32
      %add3A_79 = arith.constant 0 : i32
      %add3A_80 = arith.addi %add3A_79, %mul3A_78 : i32
      %add3A_81 = arith.constant 0 : i32
      %add3A_82 = arith.addi %add3A_80, %add3A_81 : i32
      %mul3A_83 = arith.constant 32 : i32
      %mul3A_84 = arith.muli %add3A_82, %mul3A_83 : i32
      %add3A_85 = arith.addi %add3A, %mul3A_84 : i32
      %lt3A_86 = arith.constant 625 : i32
      %lt3A_87 = arith.cmpi slt, %add3A_85, %lt3A_86 : i32
      %convert_element_type3A_88 = arith.extui %lt3A_87 : i1 to i32
      %cond3A_89 = arith.constant 0 : i32
      %cond3A_90 = arith.cmpi ne, %convert_element_type3A_88, %cond3A_89 : i32
      scf.if %cond3A_90 {
        %mul3A_121 = arith.constant 32 : i32
        %mul3A_122 = arith.muli %add3A_82, %mul3A_121 : i32
        %add3A_123 = arith.addi %add3A, %mul3A_122 : i32
        %mul3A_124 = arith.constant 8000 : i32
        %mul3A_125 = arith.muli %add3A_123, %mul3A_124 : i32
        %dma_wait3A = tpu.memref_slice %arg2[%mul3A_125] : memref<5000000xf32, #tpu.memory_space<hbm>> -> memref<8000xf32, #tpu.memory_space<hbm>>
        %dma_wait3A_126 = tpu.memref_slice %arg2[%mul3A_125] : memref<5000000xf32, #tpu.memory_space<hbm>> -> memref<8000xf32, #tpu.memory_space<hbm>>
        tpu.wait_dma2 semaphore(%arg21 : memref<!tpu.dma_semaphore, #tpu.memory_space<semaphore_mem>>) src(%dma_wait3A_126 : memref<8000xf32, #tpu.memory_space<hbm>>) dst(%arg9 : memref<8000xf32, #tpu.memory_space<vmem>>)
        %dma_wait3A_127 = tpu.memref_slice %arg3[%mul3A_125] : memref<5000000xi32, #tpu.memory_space<hbm>> -> memref<8000xi32, #tpu.memory_space<hbm>>
        %dma_wait3A_128 = tpu.memref_slice %arg3[%mul3A_125] : memref<5000000xi32, #tpu.memory_space<hbm>> -> memref<8000xi32, #tpu.memory_space<hbm>>
        tpu.wait_dma2 semaphore(%arg25 : memref<!tpu.dma_semaphore, #tpu.memory_space<semaphore_mem>>) src(%dma_wait3A_128 : memref<8000xi32, #tpu.memory_space<hbm>>) dst(%arg13 : memref<8000xi32, #tpu.memory_space<vmem>>)
        %ge3A_129 = arith.constant 4 : i32
        %ge3A_130 = arith.cmpi sge, %add3A_82, %ge3A_129 : i32
        %convert_element_type3A_131 = arith.extui %ge3A_130 : i1 to i32
        %cond3A_132 = arith.constant 0 : i32
        %cond3A_133 = arith.cmpi ne, %convert_element_type3A_131, %cond3A_132 : i32
        scf.if %cond3A_133 {
          %sub3A_152 = arith.constant 4 : i32
          %sub3A_153 = arith.subi %add3A_82, %sub3A_152 : i32
          %mul3A_154 = arith.constant 32 : i32
          %mul3A_155 = arith.muli %sub3A_153, %mul3A_154 : i32
          %add3A_156 = arith.addi %add3A, %mul3A_155 : i32
          %mul3A_157 = arith.constant 8000 : i32
          %mul3A_158 = arith.muli %add3A_156, %mul3A_157 : i32
          %dma_wait3A_159 = tpu.memref_slice %arg6[%mul3A_158] : memref<5000000xf32, #tpu.memory_space<hbm>> -> memref<8000xf32, #tpu.memory_space<hbm>>
          %dma_wait3A_160 = tpu.memref_slice %arg6[%mul3A_158] : memref<5000000xf32, #tpu.memory_space<hbm>> -> memref<8000xf32, #tpu.memory_space<hbm>>
          tpu.wait_dma2 semaphore(%arg29 : memref<!tpu.dma_semaphore, #tpu.memory_space<semaphore_mem>>) src(%arg17 : memref<8000xf32, #tpu.memory_space<vmem>>) dst(%dma_wait3A_160 : memref<8000xf32, #tpu.memory_space<hbm>>)
        } else {
        }
        %parallel_loop3A = arith.constant 0 : i32
        %parallel_loop3A_134 = arith.constant 8000 : i32
        %parallel_loop3A_135 = arith.constant 16 : i32
        scf.for %parallel_loop3A_152 = %parallel_loop3A to %parallel_loop3A_134 step %parallel_loop3A_135  : i32 {
          %parallel_loop3A_153 = arith.index_cast %parallel_loop3A_152 : i32 to index
          %parallel_loop3A_154 = tpu.vector_load %arg13[%parallel_loop3A_153] {strides = array<i32>} : memref<8000xi32, #tpu.memory_space<vmem>>, vector<16xi32>,
          %parallel_loop3A_155 = vector.shape_cast %parallel_loop3A_154 : vector<16xi32> to vector<16xi32>
          %parallel_loop3A_156 = arith.constant 0 : i32
          %parallel_loop3A_157 = vector.broadcast %parallel_loop3A_156 : i32 to vector<16xi32>
          %parallel_loop3A_158 = arith.cmpi slt, %parallel_loop3A_155, %parallel_loop3A_157 : vector<16xi32>
          %parallel_loop3A_159 = arith.constant 16 : i32
          %parallel_loop3A_160 = vector.broadcast %parallel_loop3A_159 : i32 to vector<16xi32>
          %parallel_loop3A_161 = arith.addi %parallel_loop3A_155, %parallel_loop3A_160 : vector<16xi32>
          %parallel_loop3A_162 = arith.select %parallel_loop3A_158, %parallel_loop3A_161, %parallel_loop3A_155 : vector<16xi1>, vector<16xi32>
          %parallel_loop3A_163 = vector.shape_cast %parallel_loop3A_162 : vector<16xi32> to vector<16x1xi32>
          %parallel_loop3A_164 = vector.shape_cast %parallel_loop3A_163 : vector<16x1xi32> to vector<16xi32>
          %parallel_loop3A_165 = tpu.dynamic_gather %get3A_2[%parallel_loop3A_164] in [0] : vector<16xf32>, vector<16xi32> -> vector<16xf32>
          %parallel_loop3A_166 = arith.constant 0 : i32
          %parallel_loop3A_167 = vector.broadcast %parallel_loop3A_166 : i32 to vector<16xi32>
          %parallel_loop3A_168 = arith.cmpi slt, %parallel_loop3A_155, %parallel_loop3A_167 : vector<16xi32>
          %parallel_loop3A_169 = arith.constant 16 : i32
          %parallel_loop3A_170 = vector.broadcast %parallel_loop3A_169 : i32 to vector<16xi32>
          %parallel_loop3A_171 = arith.addi %parallel_loop3A_155, %parallel_loop3A_170 : vector<16xi32>
          %parallel_loop3A_172 = arith.select %parallel_loop3A_168, %parallel_loop3A_171, %parallel_loop3A_155 : vector<16xi1>, vector<16xi32>
          %parallel_loop3A_173 = vector.shape_cast %parallel_loop3A_172 : vector<16xi32> to vector<16x1xi32>
          %parallel_loop3A_174 = vector.shape_cast %parallel_loop3A_173 : vector<16x1xi32> to vector<16xi32>
          %parallel_loop3A_175 = tpu.dynamic_gather %get3A_5[%parallel_loop3A_174] in [0] : vector<16xf32>, vector<16xi32> -> vector<16xf32>
          %parallel_loop3A_176 = arith.index_cast %parallel_loop3A_152 : i32 to index
          %parallel_loop3A_177 = tpu.vector_load %arg9[%parallel_loop3A_176] {strides = array<i32>} : memref<8000xf32, #tpu.memory_space<vmem>>, vector<16xf32>,
          %parallel_loop3A_178 = vector.shape_cast %parallel_loop3A_177 : vector<16xf32> to vector<16xf32>
          %parallel_loop3A_179 = arith.mulf %parallel_loop3A_165, %parallel_loop3A_178 : vector<16xf32>
          %parallel_loop3A_180 = arith.addf %parallel_loop3A_179, %parallel_loop3A_175 : vector<16xf32>
          %parallel_loop3A_181 = arith.index_cast %parallel_loop3A_152 : i32 to index
          %parallel_loop3A_182 = tpu.vector_load %arg17[%parallel_loop3A_181] {strides = array<i32>} : memref<8000xf32, #tpu.memory_space<vmem>>, vector<16xf32>,
          %parallel_loop3A_183 = vector.shape_cast %parallel_loop3A_182 : vector<16xf32> to vector<16xf32>
          %parallel_loop3A_184 = vector.shape_cast %parallel_loop3A_180 : vector<16xf32> to vector<16xf32>
          tpu.vector_store %arg17[%parallel_loop3A_181], %parallel_loop3A_184 {strides = array<i32>} : memref<8000xf32, #tpu.memory_space<vmem>>, vector<16xf32>,
        } {sc.loop_unroll_factor = 4 : i64, sc.parallel_access}
        %mul3A_136 = arith.constant 32 : i32
        %mul3A_137 = arith.muli %add3A_82, %mul3A_136 : i32
        %add3A_138 = arith.addi %add3A, %mul3A_137 : i32
        %mul3A_139 = arith.constant 8000 : i32
        %mul3A_140 = arith.muli %add3A_138, %mul3A_139 : i32
        %dma_start3A = tpu.memref_slice %arg6[%mul3A_140] : memref<5000000xf32, #tpu.memory_space<hbm>> -> memref<8000xf32, #tpu.memory_space<hbm>>
        %dma_start3A_141 = tpu.memref_slice %arg6[%mul3A_140] : memref<5000000xf32, #tpu.memory_space<hbm>> -> memref<8000xf32, #tpu.memory_space<hbm>>
        tpu.enqueue_dma source(%arg17 : memref<8000xf32, #tpu.memory_space<vmem>>) target(%dma_start3A_141 : memref<8000xf32, #tpu.memory_space<hbm>>) target_semaphore(%arg29 : memref<!tpu.dma_semaphore, #tpu.memory_space<semaphore_mem>>)
        %add3A_142 = arith.constant 4 : i32
        %add3A_143 = arith.addi %add3A_82, %add3A_142 : i32
        %mul3A_144 = arith.constant 32 : i32
        %mul3A_145 = arith.muli %add3A_143, %mul3A_144 : i32
        %add3A_146 = arith.addi %add3A, %mul3A_145 : i32
        %lt3A_147 = arith.constant 625 : i32
        %lt3A_148 = arith.cmpi slt, %add3A_146, %lt3A_147 : i32
        %convert_element_type3A_149 = arith.extui %lt3A_148 : i1 to i32
        %cond3A_150 = arith.constant 0 : i32
        %cond3A_151 = arith.cmpi ne, %convert_element_type3A_149, %cond3A_150 : i32
        scf.if %cond3A_151 {
          %add3A_152 = arith.constant 4 : i32
          %add3A_153 = arith.addi %add3A_82, %add3A_152 : i32
          %mul3A_154 = arith.constant 32 : i32
          %mul3A_155 = arith.muli %add3A_153, %mul3A_154 : i32
          %add3A_156 = arith.addi %add3A, %mul3A_155 : i32
          %mul3A_157 = arith.constant 8000 : i32
          %mul3A_158 = arith.muli %add3A_156, %mul3A_157 : i32
          %dma_start3A_159 = tpu.memref_slice %arg2[%mul3A_158] : memref<5000000xf32, #tpu.memory_space<hbm>> -> memref<8000xf32, #tpu.memory_space<hbm>>
          %dma_start3A_160 = tpu.memref_slice %arg2[%mul3A_158] : memref<5000000xf32, #tpu.memory_space<hbm>> -> memref<8000xf32, #tpu.memory_space<hbm>>
          tpu.enqueue_dma source(%dma_start3A_160 : memref<8000xf32, #tpu.memory_space<hbm>>) target(%arg9 : memref<8000xf32, #tpu.memory_space<vmem>>) target_semaphore(%arg21 : memref<!tpu.dma_semaphore, #tpu.memory_space<semaphore_mem>>)
          %dma_start3A_161 = tpu.memref_slice %arg3[%mul3A_158] : memref<5000000xi32, #tpu.memory_space<hbm>> -> memref<8000xi32, #tpu.memory_space<hbm>>
          %dma_start3A_162 = tpu.memref_slice %arg3[%mul3A_158] : memref<5000000xi32, #tpu.memory_space<hbm>> -> memref<8000xi32, #tpu.memory_space<hbm>>
          tpu.enqueue_dma source(%dma_start3A_162 : memref<8000xi32, #tpu.memory_space<hbm>>) target(%arg13 : memref<8000xi32, #tpu.memory_space<vmem>>) target_semaphore(%arg25 : memref<!tpu.dma_semaphore, #tpu.memory_space<semaphore_mem>>)
        } else {
        }
      } else {
      }
      %add3A_91 = arith.constant 1 : i32
      %add3A_92 = arith.addi %add3A_80, %add3A_91 : i32
      %mul3A_93 = arith.constant 32 : i32
      %mul3A_94 = arith.muli %add3A_92, %mul3A_93 : i32
      %add3A_95 = arith.addi %add3A, %mul3A_94 : i32
      %lt3A_96 = arith.constant 625 : i32
      %lt3A_97 = arith.cmpi slt, %add3A_95, %lt3A_96 : i32
      %convert_element_type3A_98 = arith.extui %lt3A_97 : i1 to i32
      %cond3A_99 = arith.constant 0 : i32
      %cond3A_100 = arith.cmpi ne, %convert_element_type3A_98, %cond3A_99 : i32
      scf.if %cond3A_100 {
        %mul3A_121 = arith.constant 32 : i32
        %mul3A_122 = arith.muli %add3A_92, %mul3A_121 : i32
        %add3A_123 = arith.addi %add3A, %mul3A_122 : i32
        %mul3A_124 = arith.constant 8000 : i32
        %mul3A_125 = arith.muli %add3A_123, %mul3A_124 : i32
        %dma_wait3A = tpu.memref_slice %arg2[%mul3A_125] : memref<5000000xf32, #tpu.memory_space<hbm>> -> memref<8000xf32, #tpu.memory_space<hbm>>
        %dma_wait3A_126 = tpu.memref_slice %arg2[%mul3A_125] : memref<5000000xf32, #tpu.memory_space<hbm>> -> memref<8000xf32, #tpu.memory_space<hbm>>
        tpu.wait_dma2 semaphore(%arg22 : memref<!tpu.dma_semaphore, #tpu.memory_space<semaphore_mem>>) src(%dma_wait3A_126 : memref<8000xf32, #tpu.memory_space<hbm>>) dst(%arg10 : memref<8000xf32, #tpu.memory_space<vmem>>)
        %dma_wait3A_127 = tpu.memref_slice %arg3[%mul3A_125] : memref<5000000xi32, #tpu.memory_space<hbm>> -> memref<8000xi32, #tpu.memory_space<hbm>>
        %dma_wait3A_128 = tpu.memref_slice %arg3[%mul3A_125] : memref<5000000xi32, #tpu.memory_space<hbm>> -> memref<8000xi32, #tpu.memory_space<hbm>>
        tpu.wait_dma2 semaphore(%arg26 : memref<!tpu.dma_semaphore, #tpu.memory_space<semaphore_mem>>) src(%dma_wait3A_128 : memref<8000xi32, #tpu.memory_space<hbm>>) dst(%arg14 : memref<8000xi32, #tpu.memory_space<vmem>>)
        %ge3A_129 = arith.constant 4 : i32
        %ge3A_130 = arith.cmpi sge, %add3A_92, %ge3A_129 : i32
        %convert_element_type3A_131 = arith.extui %ge3A_130 : i1 to i32
        %cond3A_132 = arith.constant 0 : i32
        %cond3A_133 = arith.cmpi ne, %convert_element_type3A_131, %cond3A_132 : i32
        scf.if %cond3A_133 {
          %sub3A_152 = arith.constant 4 : i32
          %sub3A_153 = arith.subi %add3A_92, %sub3A_152 : i32
          %mul3A_154 = arith.constant 32 : i32
          %mul3A_155 = arith.muli %sub3A_153, %mul3A_154 : i32
          %add3A_156 = arith.addi %add3A, %mul3A_155 : i32
          %mul3A_157 = arith.constant 8000 : i32
          %mul3A_158 = arith.muli %add3A_156, %mul3A_157 : i32
          %dma_wait3A_159 = tpu.memref_slice %arg6[%mul3A_158] : memref<5000000xf32, #tpu.memory_space<hbm>> -> memref<8000xf32, #tpu.memory_space<hbm>>
          %dma_wait3A_160 = tpu.memref_slice %arg6[%mul3A_158] : memref<5000000xf32, #tpu.memory_space<hbm>> -> memref<8000xf32, #tpu.memory_space<hbm>>
          tpu.wait_dma2 semaphore(%arg30 : memref<!tpu.dma_semaphore, #tpu.memory_space<semaphore_mem>>) src(%arg18 : memref<8000xf32, #tpu.memory_space<vmem>>) dst(%dma_wait3A_160 : memref<8000xf32, #tpu.memory_space<hbm>>)
        } else {
        }
        %parallel_loop3A = arith.constant 0 : i32
        %parallel_loop3A_134 = arith.constant 8000 : i32
        %parallel_loop3A_135 = arith.constant 16 : i32
        scf.for %parallel_loop3A_152 = %parallel_loop3A to %parallel_loop3A_134 step %parallel_loop3A_135  : i32 {
          %parallel_loop3A_153 = arith.index_cast %parallel_loop3A_152 : i32 to index
          %parallel_loop3A_154 = tpu.vector_load %arg14[%parallel_loop3A_153] {strides = array<i32>} : memref<8000xi32, #tpu.memory_space<vmem>>, vector<16xi32>,
          %parallel_loop3A_155 = vector.shape_cast %parallel_loop3A_154 : vector<16xi32> to vector<16xi32>
          %parallel_loop3A_156 = arith.constant 0 : i32
          %parallel_loop3A_157 = vector.broadcast %parallel_loop3A_156 : i32 to vector<16xi32>
          %parallel_loop3A_158 = arith.cmpi slt, %parallel_loop3A_155, %parallel_loop3A_157 : vector<16xi32>
          %parallel_loop3A_159 = arith.constant 16 : i32
          %parallel_loop3A_160 = vector.broadcast %parallel_loop3A_159 : i32 to vector<16xi32>
          %parallel_loop3A_161 = arith.addi %parallel_loop3A_155, %parallel_loop3A_160 : vector<16xi32>
          %parallel_loop3A_162 = arith.select %parallel_loop3A_158, %parallel_loop3A_161, %parallel_loop3A_155 : vector<16xi1>, vector<16xi32>
          %parallel_loop3A_163 = vector.shape_cast %parallel_loop3A_162 : vector<16xi32> to vector<16x1xi32>
          %parallel_loop3A_164 = vector.shape_cast %parallel_loop3A_163 : vector<16x1xi32> to vector<16xi32>
          %parallel_loop3A_165 = tpu.dynamic_gather %get3A_2[%parallel_loop3A_164] in [0] : vector<16xf32>, vector<16xi32> -> vector<16xf32>
          %parallel_loop3A_166 = arith.constant 0 : i32
          %parallel_loop3A_167 = vector.broadcast %parallel_loop3A_166 : i32 to vector<16xi32>
          %parallel_loop3A_168 = arith.cmpi slt, %parallel_loop3A_155, %parallel_loop3A_167 : vector<16xi32>
          %parallel_loop3A_169 = arith.constant 16 : i32
          %parallel_loop3A_170 = vector.broadcast %parallel_loop3A_169 : i32 to vector<16xi32>
          %parallel_loop3A_171 = arith.addi %parallel_loop3A_155, %parallel_loop3A_170 : vector<16xi32>
          %parallel_loop3A_172 = arith.select %parallel_loop3A_168, %parallel_loop3A_171, %parallel_loop3A_155 : vector<16xi1>, vector<16xi32>
          %parallel_loop3A_173 = vector.shape_cast %parallel_loop3A_172 : vector<16xi32> to vector<16x1xi32>
          %parallel_loop3A_174 = vector.shape_cast %parallel_loop3A_173 : vector<16x1xi32> to vector<16xi32>
          %parallel_loop3A_175 = tpu.dynamic_gather %get3A_5[%parallel_loop3A_174] in [0] : vector<16xf32>, vector<16xi32> -> vector<16xf32>
          %parallel_loop3A_176 = arith.index_cast %parallel_loop3A_152 : i32 to index
          %parallel_loop3A_177 = tpu.vector_load %arg10[%parallel_loop3A_176] {strides = array<i32>} : memref<8000xf32, #tpu.memory_space<vmem>>, vector<16xf32>,
          %parallel_loop3A_178 = vector.shape_cast %parallel_loop3A_177 : vector<16xf32> to vector<16xf32>
          %parallel_loop3A_179 = arith.mulf %parallel_loop3A_165, %parallel_loop3A_178 : vector<16xf32>
          %parallel_loop3A_180 = arith.addf %parallel_loop3A_179, %parallel_loop3A_175 : vector<16xf32>
          %parallel_loop3A_181 = arith.index_cast %parallel_loop3A_152 : i32 to index
          %parallel_loop3A_182 = tpu.vector_load %arg18[%parallel_loop3A_181] {strides = array<i32>} : memref<8000xf32, #tpu.memory_space<vmem>>, vector<16xf32>,
          %parallel_loop3A_183 = vector.shape_cast %parallel_loop3A_182 : vector<16xf32> to vector<16xf32>
          %parallel_loop3A_184 = vector.shape_cast %parallel_loop3A_180 : vector<16xf32> to vector<16xf32>
          tpu.vector_store %arg18[%parallel_loop3A_181], %parallel_loop3A_184 {strides = array<i32>} : memref<8000xf32, #tpu.memory_space<vmem>>, vector<16xf32>,
        } {sc.loop_unroll_factor = 4 : i64, sc.parallel_access}
        %mul3A_136 = arith.constant 32 : i32
        %mul3A_137 = arith.muli %add3A_92, %mul3A_136 : i32
        %add3A_138 = arith.addi %add3A, %mul3A_137 : i32
        %mul3A_139 = arith.constant 8000 : i32
        %mul3A_140 = arith.muli %add3A_138, %mul3A_139 : i32
        %dma_start3A = tpu.memref_slice %arg6[%mul3A_140] : memref<5000000xf32, #tpu.memory_space<hbm>> -> memref<8000xf32, #tpu.memory_space<hbm>>
        %dma_start3A_141 = tpu.memref_slice %arg6[%mul3A_140] : memref<5000000xf32, #tpu.memory_space<hbm>> -> memref<8000xf32, #tpu.memory_space<hbm>>
        tpu.enqueue_dma source(%arg18 : memref<8000xf32, #tpu.memory_space<vmem>>) target(%dma_start3A_141 : memref<8000xf32, #tpu.memory_space<hbm>>) target_semaphore(%arg30 : memref<!tpu.dma_semaphore, #tpu.memory_space<semaphore_mem>>)
        %add3A_142 = arith.constant 4 : i32
        %add3A_143 = arith.addi %add3A_92, %add3A_142 : i32
        %mul3A_144 = arith.constant 32 : i32
        %mul3A_145 = arith.muli %add3A_143, %mul3A_144 : i32
        %add3A_146 = arith.addi %add3A, %mul3A_145 : i32
        %lt3A_147 = arith.constant 625 : i32
        %lt3A_148 = arith.cmpi slt, %add3A_146, %lt3A_147 : i32
        %convert_element_type3A_149 = arith.extui %lt3A_148 : i1 to i32
        %cond3A_150 = arith.constant 0 : i32
        %cond3A_151 = arith.cmpi ne, %convert_element_type3A_149, %cond3A_150 : i32
        scf.if %cond3A_151 {
          %add3A_152 = arith.constant 4 : i32
          %add3A_153 = arith.addi %add3A_92, %add3A_152 : i32
          %mul3A_154 = arith.constant 32 : i32
          %mul3A_155 = arith.muli %add3A_153, %mul3A_154 : i32
          %add3A_156 = arith.addi %add3A, %mul3A_155 : i32
          %mul3A_157 = arith.constant 8000 : i32
          %mul3A_158 = arith.muli %add3A_156, %mul3A_157 : i32
          %dma_start3A_159 = tpu.memref_slice %arg2[%mul3A_158] : memref<5000000xf32, #tpu.memory_space<hbm>> -> memref<8000xf32, #tpu.memory_space<hbm>>
          %dma_start3A_160 = tpu.memref_slice %arg2[%mul3A_158] : memref<5000000xf32, #tpu.memory_space<hbm>> -> memref<8000xf32, #tpu.memory_space<hbm>>
          tpu.enqueue_dma source(%dma_start3A_160 : memref<8000xf32, #tpu.memory_space<hbm>>) target(%arg10 : memref<8000xf32, #tpu.memory_space<vmem>>) target_semaphore(%arg22 : memref<!tpu.dma_semaphore, #tpu.memory_space<semaphore_mem>>)
          %dma_start3A_161 = tpu.memref_slice %arg3[%mul3A_158] : memref<5000000xi32, #tpu.memory_space<hbm>> -> memref<8000xi32, #tpu.memory_space<hbm>>
          %dma_start3A_162 = tpu.memref_slice %arg3[%mul3A_158] : memref<5000000xi32, #tpu.memory_space<hbm>> -> memref<8000xi32, #tpu.memory_space<hbm>>
          tpu.enqueue_dma source(%dma_start3A_162 : memref<8000xi32, #tpu.memory_space<hbm>>) target(%arg14 : memref<8000xi32, #tpu.memory_space<vmem>>) target_semaphore(%arg26 : memref<!tpu.dma_semaphore, #tpu.memory_space<semaphore_mem>>)
        } else {
        }
      } else {
      }
      %add3A_101 = arith.constant 2 : i32
      %add3A_102 = arith.addi %add3A_80, %add3A_101 : i32
      %mul3A_103 = arith.constant 32 : i32
      %mul3A_104 = arith.muli %add3A_102, %mul3A_103 : i32
      %add3A_105 = arith.addi %add3A, %mul3A_104 : i32
      %lt3A_106 = arith.constant 625 : i32
      %lt3A_107 = arith.cmpi slt, %add3A_105, %lt3A_106 : i32
      %convert_element_type3A_108 = arith.extui %lt3A_107 : i1 to i32
      %cond3A_109 = arith.constant 0 : i32
      %cond3A_110 = arith.cmpi ne, %convert_element_type3A_108, %cond3A_109 : i32
      scf.if %cond3A_110 {
        %mul3A_121 = arith.constant 32 : i32
        %mul3A_122 = arith.muli %add3A_102, %mul3A_121 : i32
        %add3A_123 = arith.addi %add3A, %mul3A_122 : i32
        %mul3A_124 = arith.constant 8000 : i32
        %mul3A_125 = arith.muli %add3A_123, %mul3A_124 : i32
        %dma_wait3A = tpu.memref_slice %arg2[%mul3A_125] : memref<5000000xf32, #tpu.memory_space<hbm>> -> memref<8000xf32, #tpu.memory_space<hbm>>
        %dma_wait3A_126 = tpu.memref_slice %arg2[%mul3A_125] : memref<5000000xf32, #tpu.memory_space<hbm>> -> memref<8000xf32, #tpu.memory_space<hbm>>
        tpu.wait_dma2 semaphore(%arg23 : memref<!tpu.dma_semaphore, #tpu.memory_space<semaphore_mem>>) src(%dma_wait3A_126 : memref<8000xf32, #tpu.memory_space<hbm>>) dst(%arg11 : memref<8000xf32, #tpu.memory_space<vmem>>)
        %dma_wait3A_127 = tpu.memref_slice %arg3[%mul3A_125] : memref<5000000xi32, #tpu.memory_space<hbm>> -> memref<8000xi32, #tpu.memory_space<hbm>>
        %dma_wait3A_128 = tpu.memref_slice %arg3[%mul3A_125] : memref<5000000xi32, #tpu.memory_space<hbm>> -> memref<8000xi32, #tpu.memory_space<hbm>>
        tpu.wait_dma2 semaphore(%arg27 : memref<!tpu.dma_semaphore, #tpu.memory_space<semaphore_mem>>) src(%dma_wait3A_128 : memref<8000xi32, #tpu.memory_space<hbm>>) dst(%arg15 : memref<8000xi32, #tpu.memory_space<vmem>>)
        %ge3A_129 = arith.constant 4 : i32
        %ge3A_130 = arith.cmpi sge, %add3A_102, %ge3A_129 : i32
        %convert_element_type3A_131 = arith.extui %ge3A_130 : i1 to i32
        %cond3A_132 = arith.constant 0 : i32
        %cond3A_133 = arith.cmpi ne, %convert_element_type3A_131, %cond3A_132 : i32
        scf.if %cond3A_133 {
          %sub3A_152 = arith.constant 4 : i32
          %sub3A_153 = arith.subi %add3A_102, %sub3A_152 : i32
          %mul3A_154 = arith.constant 32 : i32
          %mul3A_155 = arith.muli %sub3A_153, %mul3A_154 : i32
          %add3A_156 = arith.addi %add3A, %mul3A_155 : i32
          %mul3A_157 = arith.constant 8000 : i32
          %mul3A_158 = arith.muli %add3A_156, %mul3A_157 : i32
          %dma_wait3A_159 = tpu.memref_slice %arg6[%mul3A_158] : memref<5000000xf32, #tpu.memory_space<hbm>> -> memref<8000xf32, #tpu.memory_space<hbm>>
          %dma_wait3A_160 = tpu.memref_slice %arg6[%mul3A_158] : memref<5000000xf32, #tpu.memory_space<hbm>> -> memref<8000xf32, #tpu.memory_space<hbm>>
          tpu.wait_dma2 semaphore(%arg31 : memref<!tpu.dma_semaphore, #tpu.memory_space<semaphore_mem>>) src(%arg19 : memref<8000xf32, #tpu.memory_space<vmem>>) dst(%dma_wait3A_160 : memref<8000xf32, #tpu.memory_space<hbm>>)
        } else {
        }
        %parallel_loop3A = arith.constant 0 : i32
        %parallel_loop3A_134 = arith.constant 8000 : i32
        %parallel_loop3A_135 = arith.constant 16 : i32
        scf.for %parallel_loop3A_152 = %parallel_loop3A to %parallel_loop3A_134 step %parallel_loop3A_135  : i32 {
          %parallel_loop3A_153 = arith.index_cast %parallel_loop3A_152 : i32 to index
          %parallel_loop3A_154 = tpu.vector_load %arg15[%parallel_loop3A_153] {strides = array<i32>} : memref<8000xi32, #tpu.memory_space<vmem>>, vector<16xi32>,
          %parallel_loop3A_155 = vector.shape_cast %parallel_loop3A_154 : vector<16xi32> to vector<16xi32>
          %parallel_loop3A_156 = arith.constant 0 : i32
          %parallel_loop3A_157 = vector.broadcast %parallel_loop3A_156 : i32 to vector<16xi32>
          %parallel_loop3A_158 = arith.cmpi slt, %parallel_loop3A_155, %parallel_loop3A_157 : vector<16xi32>
          %parallel_loop3A_159 = arith.constant 16 : i32
          %parallel_loop3A_160 = vector.broadcast %parallel_loop3A_159 : i32 to vector<16xi32>
          %parallel_loop3A_161 = arith.addi %parallel_loop3A_155, %parallel_loop3A_160 : vector<16xi32>
          %parallel_loop3A_162 = arith.select %parallel_loop3A_158, %parallel_loop3A_161, %parallel_loop3A_155 : vector<16xi1>, vector<16xi32>
          %parallel_loop3A_163 = vector.shape_cast %parallel_loop3A_162 : vector<16xi32> to vector<16x1xi32>
          %parallel_loop3A_164 = vector.shape_cast %parallel_loop3A_163 : vector<16x1xi32> to vector<16xi32>
          %parallel_loop3A_165 = tpu.dynamic_gather %get3A_2[%parallel_loop3A_164] in [0] : vector<16xf32>, vector<16xi32> -> vector<16xf32>
          %parallel_loop3A_166 = arith.constant 0 : i32
          %parallel_loop3A_167 = vector.broadcast %parallel_loop3A_166 : i32 to vector<16xi32>
          %parallel_loop3A_168 = arith.cmpi slt, %parallel_loop3A_155, %parallel_loop3A_167 : vector<16xi32>
          %parallel_loop3A_169 = arith.constant 16 : i32
          %parallel_loop3A_170 = vector.broadcast %parallel_loop3A_169 : i32 to vector<16xi32>
          %parallel_loop3A_171 = arith.addi %parallel_loop3A_155, %parallel_loop3A_170 : vector<16xi32>
          %parallel_loop3A_172 = arith.select %parallel_loop3A_168, %parallel_loop3A_171, %parallel_loop3A_155 : vector<16xi1>, vector<16xi32>
          %parallel_loop3A_173 = vector.shape_cast %parallel_loop3A_172 : vector<16xi32> to vector<16x1xi32>
          %parallel_loop3A_174 = vector.shape_cast %parallel_loop3A_173 : vector<16x1xi32> to vector<16xi32>
          %parallel_loop3A_175 = tpu.dynamic_gather %get3A_5[%parallel_loop3A_174] in [0] : vector<16xf32>, vector<16xi32> -> vector<16xf32>
          %parallel_loop3A_176 = arith.index_cast %parallel_loop3A_152 : i32 to index
          %parallel_loop3A_177 = tpu.vector_load %arg11[%parallel_loop3A_176] {strides = array<i32>} : memref<8000xf32, #tpu.memory_space<vmem>>, vector<16xf32>,
          %parallel_loop3A_178 = vector.shape_cast %parallel_loop3A_177 : vector<16xf32> to vector<16xf32>
          %parallel_loop3A_179 = arith.mulf %parallel_loop3A_165, %parallel_loop3A_178 : vector<16xf32>
          %parallel_loop3A_180 = arith.addf %parallel_loop3A_179, %parallel_loop3A_175 : vector<16xf32>
          %parallel_loop3A_181 = arith.index_cast %parallel_loop3A_152 : i32 to index
          %parallel_loop3A_182 = tpu.vector_load %arg19[%parallel_loop3A_181] {strides = array<i32>} : memref<8000xf32, #tpu.memory_space<vmem>>, vector<16xf32>,
          %parallel_loop3A_183 = vector.shape_cast %parallel_loop3A_182 : vector<16xf32> to vector<16xf32>
          %parallel_loop3A_184 = vector.shape_cast %parallel_loop3A_180 : vector<16xf32> to vector<16xf32>
          tpu.vector_store %arg19[%parallel_loop3A_181], %parallel_loop3A_184 {strides = array<i32>} : memref<8000xf32, #tpu.memory_space<vmem>>, vector<16xf32>,
        } {sc.loop_unroll_factor = 4 : i64, sc.parallel_access}
        %mul3A_136 = arith.constant 32 : i32
        %mul3A_137 = arith.muli %add3A_102, %mul3A_136 : i32
        %add3A_138 = arith.addi %add3A, %mul3A_137 : i32
        %mul3A_139 = arith.constant 8000 : i32
        %mul3A_140 = arith.muli %add3A_138, %mul3A_139 : i32
        %dma_start3A = tpu.memref_slice %arg6[%mul3A_140] : memref<5000000xf32, #tpu.memory_space<hbm>> -> memref<8000xf32, #tpu.memory_space<hbm>>
        %dma_start3A_141 = tpu.memref_slice %arg6[%mul3A_140] : memref<5000000xf32, #tpu.memory_space<hbm>> -> memref<8000xf32, #tpu.memory_space<hbm>>
        tpu.enqueue_dma source(%arg19 : memref<8000xf32, #tpu.memory_space<vmem>>) target(%dma_start3A_141 : memref<8000xf32, #tpu.memory_space<hbm>>) target_semaphore(%arg31 : memref<!tpu.dma_semaphore, #tpu.memory_space<semaphore_mem>>)
        %add3A_142 = arith.constant 4 : i32
        %add3A_143 = arith.addi %add3A_102, %add3A_142 : i32
        %mul3A_144 = arith.constant 32 : i32
        %mul3A_145 = arith.muli %add3A_143, %mul3A_144 : i32
        %add3A_146 = arith.addi %add3A, %mul3A_145 : i32
        %lt3A_147 = arith.constant 625 : i32
        %lt3A_148 = arith.cmpi slt, %add3A_146, %lt3A_147 : i32
        %convert_element_type3A_149 = arith.extui %lt3A_148 : i1 to i32
        %cond3A_150 = arith.constant 0 : i32
        %cond3A_151 = arith.cmpi ne, %convert_element_type3A_149, %cond3A_150 : i32
        scf.if %cond3A_151 {
          %add3A_152 = arith.constant 4 : i32
          %add3A_153 = arith.addi %add3A_102, %add3A_152 : i32
          %mul3A_154 = arith.constant 32 : i32
          %mul3A_155 = arith.muli %add3A_153, %mul3A_154 : i32
          %add3A_156 = arith.addi %add3A, %mul3A_155 : i32
          %mul3A_157 = arith.constant 8000 : i32
          %mul3A_158 = arith.muli %add3A_156, %mul3A_157 : i32
          %dma_start3A_159 = tpu.memref_slice %arg2[%mul3A_158] : memref<5000000xf32, #tpu.memory_space<hbm>> -> memref<8000xf32, #tpu.memory_space<hbm>>
          %dma_start3A_160 = tpu.memref_slice %arg2[%mul3A_158] : memref<5000000xf32, #tpu.memory_space<hbm>> -> memref<8000xf32, #tpu.memory_space<hbm>>
          tpu.enqueue_dma source(%dma_start3A_160 : memref<8000xf32, #tpu.memory_space<hbm>>) target(%arg11 : memref<8000xf32, #tpu.memory_space<vmem>>) target_semaphore(%arg23 : memref<!tpu.dma_semaphore, #tpu.memory_space<semaphore_mem>>)
          %dma_start3A_161 = tpu.memref_slice %arg3[%mul3A_158] : memref<5000000xi32, #tpu.memory_space<hbm>> -> memref<8000xi32, #tpu.memory_space<hbm>>
          %dma_start3A_162 = tpu.memref_slice %arg3[%mul3A_158] : memref<5000000xi32, #tpu.memory_space<hbm>> -> memref<8000xi32, #tpu.memory_space<hbm>>
          tpu.enqueue_dma source(%dma_start3A_162 : memref<8000xi32, #tpu.memory_space<hbm>>) target(%arg15 : memref<8000xi32, #tpu.memory_space<vmem>>) target_semaphore(%arg27 : memref<!tpu.dma_semaphore, #tpu.memory_space<semaphore_mem>>)
        } else {
        }
      } else {
      }
      %add3A_111 = arith.constant 3 : i32
      %add3A_112 = arith.addi %add3A_80, %add3A_111 : i32
      %mul3A_113 = arith.constant 32 : i32
      %mul3A_114 = arith.muli %add3A_112, %mul3A_113 : i32
      %add3A_115 = arith.addi %add3A, %mul3A_114 : i32
      %lt3A_116 = arith.constant 625 : i32
      %lt3A_117 = arith.cmpi slt, %add3A_115, %lt3A_116 : i32
      %convert_element_type3A_118 = arith.extui %lt3A_117 : i1 to i32
      %cond3A_119 = arith.constant 0 : i32
      %cond3A_120 = arith.cmpi ne, %convert_element_type3A_118, %cond3A_119 : i32
      scf.if %cond3A_120 {
        %mul3A_121 = arith.constant 32 : i32
        %mul3A_122 = arith.muli %add3A_112, %mul3A_121 : i32
        %add3A_123 = arith.addi %add3A, %mul3A_122 : i32
        %mul3A_124 = arith.constant 8000 : i32
        %mul3A_125 = arith.muli %add3A_123, %mul3A_124 : i32
        %dma_wait3A = tpu.memref_slice %arg2[%mul3A_125] : memref<5000000xf32, #tpu.memory_space<hbm>> -> memref<8000xf32, #tpu.memory_space<hbm>>
        %dma_wait3A_126 = tpu.memref_slice %arg2[%mul3A_125] : memref<5000000xf32, #tpu.memory_space<hbm>> -> memref<8000xf32, #tpu.memory_space<hbm>>
        tpu.wait_dma2 semaphore(%arg24 : memref<!tpu.dma_semaphore, #tpu.memory_space<semaphore_mem>>) src(%dma_wait3A_126 : memref<8000xf32, #tpu.memory_space<hbm>>) dst(%arg12 : memref<8000xf32, #tpu.memory_space<vmem>>)
        %dma_wait3A_127 = tpu.memref_slice %arg3[%mul3A_125] : memref<5000000xi32, #tpu.memory_space<hbm>> -> memref<8000xi32, #tpu.memory_space<hbm>>
        %dma_wait3A_128 = tpu.memref_slice %arg3[%mul3A_125] : memref<5000000xi32, #tpu.memory_space<hbm>> -> memref<8000xi32, #tpu.memory_space<hbm>>
        tpu.wait_dma2 semaphore(%arg28 : memref<!tpu.dma_semaphore, #tpu.memory_space<semaphore_mem>>) src(%dma_wait3A_128 : memref<8000xi32, #tpu.memory_space<hbm>>) dst(%arg16 : memref<8000xi32, #tpu.memory_space<vmem>>)
        %ge3A_129 = arith.constant 4 : i32
        %ge3A_130 = arith.cmpi sge, %add3A_112, %ge3A_129 : i32
        %convert_element_type3A_131 = arith.extui %ge3A_130 : i1 to i32
        %cond3A_132 = arith.constant 0 : i32
        %cond3A_133 = arith.cmpi ne, %convert_element_type3A_131, %cond3A_132 : i32
        scf.if %cond3A_133 {
          %sub3A_152 = arith.constant 4 : i32
          %sub3A_153 = arith.subi %add3A_112, %sub3A_152 : i32
          %mul3A_154 = arith.constant 32 : i32
          %mul3A_155 = arith.muli %sub3A_153, %mul3A_154 : i32
          %add3A_156 = arith.addi %add3A, %mul3A_155 : i32
          %mul3A_157 = arith.constant 8000 : i32
          %mul3A_158 = arith.muli %add3A_156, %mul3A_157 : i32
          %dma_wait3A_159 = tpu.memref_slice %arg6[%mul3A_158] : memref<5000000xf32, #tpu.memory_space<hbm>> -> memref<8000xf32, #tpu.memory_space<hbm>>
          %dma_wait3A_160 = tpu.memref_slice %arg6[%mul3A_158] : memref<5000000xf32, #tpu.memory_space<hbm>> -> memref<8000xf32, #tpu.memory_space<hbm>>
          tpu.wait_dma2 semaphore(%arg32 : memref<!tpu.dma_semaphore, #tpu.memory_space<semaphore_mem>>) src(%arg20 : memref<8000xf32, #tpu.memory_space<vmem>>) dst(%dma_wait3A_160 : memref<8000xf32, #tpu.memory_space<hbm>>)
        } else {
        }
        %parallel_loop3A = arith.constant 0 : i32
        %parallel_loop3A_134 = arith.constant 8000 : i32
        %parallel_loop3A_135 = arith.constant 16 : i32
        scf.for %parallel_loop3A_152 = %parallel_loop3A to %parallel_loop3A_134 step %parallel_loop3A_135  : i32 {
          %parallel_loop3A_153 = arith.index_cast %parallel_loop3A_152 : i32 to index
          %parallel_loop3A_154 = tpu.vector_load %arg16[%parallel_loop3A_153] {strides = array<i32>} : memref<8000xi32, #tpu.memory_space<vmem>>, vector<16xi32>,
          %parallel_loop3A_155 = vector.shape_cast %parallel_loop3A_154 : vector<16xi32> to vector<16xi32>
          %parallel_loop3A_156 = arith.constant 0 : i32
          %parallel_loop3A_157 = vector.broadcast %parallel_loop3A_156 : i32 to vector<16xi32>
          %parallel_loop3A_158 = arith.cmpi slt, %parallel_loop3A_155, %parallel_loop3A_157 : vector<16xi32>
          %parallel_loop3A_159 = arith.constant 16 : i32
          %parallel_loop3A_160 = vector.broadcast %parallel_loop3A_159 : i32 to vector<16xi32>
          %parallel_loop3A_161 = arith.addi %parallel_loop3A_155, %parallel_loop3A_160 : vector<16xi32>
          %parallel_loop3A_162 = arith.select %parallel_loop3A_158, %parallel_loop3A_161, %parallel_loop3A_155 : vector<16xi1>, vector<16xi32>
          %parallel_loop3A_163 = vector.shape_cast %parallel_loop3A_162 : vector<16xi32> to vector<16x1xi32>
          %parallel_loop3A_164 = vector.shape_cast %parallel_loop3A_163 : vector<16x1xi32> to vector<16xi32>
          %parallel_loop3A_165 = tpu.dynamic_gather %get3A_2[%parallel_loop3A_164] in [0] : vector<16xf32>, vector<16xi32> -> vector<16xf32>
          %parallel_loop3A_166 = arith.constant 0 : i32
          %parallel_loop3A_167 = vector.broadcast %parallel_loop3A_166 : i32 to vector<16xi32>
          %parallel_loop3A_168 = arith.cmpi slt, %parallel_loop3A_155, %parallel_loop3A_167 : vector<16xi32>
          %parallel_loop3A_169 = arith.constant 16 : i32
          %parallel_loop3A_170 = vector.broadcast %parallel_loop3A_169 : i32 to vector<16xi32>
          %parallel_loop3A_171 = arith.addi %parallel_loop3A_155, %parallel_loop3A_170 : vector<16xi32>
          %parallel_loop3A_172 = arith.select %parallel_loop3A_168, %parallel_loop3A_171, %parallel_loop3A_155 : vector<16xi1>, vector<16xi32>
          %parallel_loop3A_173 = vector.shape_cast %parallel_loop3A_172 : vector<16xi32> to vector<16x1xi32>
          %parallel_loop3A_174 = vector.shape_cast %parallel_loop3A_173 : vector<16x1xi32> to vector<16xi32>
          %parallel_loop3A_175 = tpu.dynamic_gather %get3A_5[%parallel_loop3A_174] in [0] : vector<16xf32>, vector<16xi32> -> vector<16xf32>
          %parallel_loop3A_176 = arith.index_cast %parallel_loop3A_152 : i32 to index
          %parallel_loop3A_177 = tpu.vector_load %arg12[%parallel_loop3A_176] {strides = array<i32>} : memref<8000xf32, #tpu.memory_space<vmem>>, vector<16xf32>,
          %parallel_loop3A_178 = vector.shape_cast %parallel_loop3A_177 : vector<16xf32> to vector<16xf32>
          %parallel_loop3A_179 = arith.mulf %parallel_loop3A_165, %parallel_loop3A_178 : vector<16xf32>
          %parallel_loop3A_180 = arith.addf %parallel_loop3A_179, %parallel_loop3A_175 : vector<16xf32>
          %parallel_loop3A_181 = arith.index_cast %parallel_loop3A_152 : i32 to index
          %parallel_loop3A_182 = tpu.vector_load %arg20[%parallel_loop3A_181] {strides = array<i32>} : memref<8000xf32, #tpu.memory_space<vmem>>, vector<16xf32>,
          %parallel_loop3A_183 = vector.shape_cast %parallel_loop3A_182 : vector<16xf32> to vector<16xf32>
          %parallel_loop3A_184 = vector.shape_cast %parallel_loop3A_180 : vector<16xf32> to vector<16xf32>
          tpu.vector_store %arg20[%parallel_loop3A_181], %parallel_loop3A_184 {strides = array<i32>} : memref<8000xf32, #tpu.memory_space<vmem>>, vector<16xf32>,
        } {sc.loop_unroll_factor = 4 : i64, sc.parallel_access}
        %mul3A_136 = arith.constant 32 : i32
        %mul3A_137 = arith.muli %add3A_112, %mul3A_136 : i32
        %add3A_138 = arith.addi %add3A, %mul3A_137 : i32
        %mul3A_139 = arith.constant 8000 : i32
        %mul3A_140 = arith.muli %add3A_138, %mul3A_139 : i32
        %dma_start3A = tpu.memref_slice %arg6[%mul3A_140] : memref<5000000xf32, #tpu.memory_space<hbm>> -> memref<8000xf32, #tpu.memory_space<hbm>>
        %dma_start3A_141 = tpu.memref_slice %arg6[%mul3A_140] : memref<5000000xf32, #tpu.memory_space<hbm>> -> memref<8000xf32, #tpu.memory_space<hbm>>
        tpu.enqueue_dma source(%arg20 : memref<8000xf32, #tpu.memory_space<vmem>>) target(%dma_start3A_141 : memref<8000xf32, #tpu.memory_space<hbm>>) target_semaphore(%arg32 : memref<!tpu.dma_semaphore, #tpu.memory_space<semaphore_mem>>)
        %add3A_142 = arith.constant 4 : i32
        %add3A_143 = arith.addi %add3A_112, %add3A_142 : i32
        %mul3A_144 = arith.constant 32 : i32
        %mul3A_145 = arith.muli %add3A_143, %mul3A_144 : i32
        %add3A_146 = arith.addi %add3A, %mul3A_145 : i32
        %lt3A_147 = arith.constant 625 : i32
        %lt3A_148 = arith.cmpi slt, %add3A_146, %lt3A_147 : i32
        %convert_element_type3A_149 = arith.extui %lt3A_148 : i1 to i32
        %cond3A_150 = arith.constant 0 : i32
        %cond3A_151 = arith.cmpi ne, %convert_element_type3A_149, %cond3A_150 : i32
        scf.if %cond3A_151 {
          %add3A_152 = arith.constant 4 : i32
          %add3A_153 = arith.addi %add3A_112, %add3A_152 : i32
          %mul3A_154 = arith.constant 32 : i32
          %mul3A_155 = arith.muli %add3A_153, %mul3A_154 : i32
          %add3A_156 = arith.addi %add3A, %mul3A_155 : i32
          %mul3A_157 = arith.constant 8000 : i32
          %mul3A_158 = arith.muli %add3A_156, %mul3A_157 : i32
          %dma_start3A_159 = tpu.memref_slice %arg2[%mul3A_158] : memref<5000000xf32, #tpu.memory_space<hbm>> -> memref<8000xf32, #tpu.memory_space<hbm>>
          %dma_start3A_160 = tpu.memref_slice %arg2[%mul3A_158] : memref<5000000xf32, #tpu.memory_space<hbm>> -> memref<8000xf32, #tpu.memory_space<hbm>>
          tpu.enqueue_dma source(%dma_start3A_160 : memref<8000xf32, #tpu.memory_space<hbm>>) target(%arg12 : memref<8000xf32, #tpu.memory_space<vmem>>) target_semaphore(%arg24 : memref<!tpu.dma_semaphore, #tpu.memory_space<semaphore_mem>>)
          %dma_start3A_161 = tpu.memref_slice %arg3[%mul3A_158] : memref<5000000xi32, #tpu.memory_space<hbm>> -> memref<8000xi32, #tpu.memory_space<hbm>>
          %dma_start3A_162 = tpu.memref_slice %arg3[%mul3A_158] : memref<5000000xi32, #tpu.memory_space<hbm>> -> memref<8000xi32, #tpu.memory_space<hbm>>
          tpu.enqueue_dma source(%dma_start3A_162 : memref<8000xi32, #tpu.memory_space<hbm>>) target(%arg16 : memref<8000xi32, #tpu.memory_space<vmem>>) target_semaphore(%arg28 : memref<!tpu.dma_semaphore, #tpu.memory_space<semaphore_mem>>)
        } else {
        }
      } else {
      }
    }
    %scan3A_34 = arith.constant 5 : i32
    %sub3A = arith.constant 625 : i32
    %sub3A_35 = arith.subi %sub3A, %add3A : i32
    %add3A_36 = arith.constant 32 : i32
    %add3A_37 = arith.addi %sub3A_35, %add3A_36 : i32
    %sub3A_38 = arith.constant 1 : i32
    %sub3A_39 = arith.subi %add3A_37, %sub3A_38 : i32
    %jit3A = arith.constant 32 : i32
    %div3A = arith.divsi %sub3A_39, %jit3A : i32
    %sign3A = arith.constant 0 : i32
    %sign3A_40 = arith.cmpi sgt, %sub3A_39, %sign3A : i32
    %sign3A_41 = arith.extui %sign3A_40 : i1 to i32
    %sign3A_42 = arith.constant 0 : i32
    %sign3A_43 = arith.cmpi slt, %sub3A_39, %sign3A_42 : i32
    %sign3A_44 = arith.extui %sign3A_43 : i1 to i32
    %sign3A_45 = arith.subi %sign3A_41, %sign3A_44 : i32
    %sign3A_46 = arith.constant 0 : i32
    %sign3A_47 = arith.cmpi sgt, %jit3A, %sign3A_46 : i32
    %sign3A_48 = arith.extui %sign3A_47 : i1 to i32
    %sign3A_49 = arith.constant 0 : i32
    %sign3A_50 = arith.cmpi slt, %jit3A, %sign3A_49 : i32
    %sign3A_51 = arith.extui %sign3A_50 : i1 to i32
    %sign3A_52 = arith.subi %sign3A_48, %sign3A_51 : i32
    %ne3A = arith.cmpi ne, %sign3A_45, %sign3A_52 : i32
    %rem3A = arith.remsi %sub3A_39, %jit3A : i32
    %ne3A_53 = arith.constant 0 : i32
    %ne3A_54 = arith.cmpi ne, %rem3A, %ne3A_53 : i32
    %and3A = arith.andi %ne3A, %ne3A_54 : i1
    %sub3A_55 = arith.constant 1 : i32
    %sub3A_56 = arith.subi %div3A, %sub3A_55 : i32
    %select_n3A = arith.select %and3A, %sub3A_56, %div3A : i32
    %ge3A = arith.constant 1 : i32
    %ge3A_57 = arith.cmpi sge, %select_n3A, %ge3A : i32
    %convert_element_type3A_58 = arith.extui %ge3A_57 : i1 to i32
    %cond3A_59 = arith.constant 0 : i32
    %cond3A_60 = arith.cmpi ne, %convert_element_type3A_58, %cond3A_59 : i32
    scf.if %cond3A_60 {
      %sub3A_76 = arith.constant 1 : i32
      %sub3A_77 = arith.subi %select_n3A, %sub3A_76 : i32
      %sub3A_78 = arith.constant 0 : i32
      %sub3A_79 = arith.subi %sub3A_77, %sub3A_78 : i32
      %jit3A_80 = arith.constant 4 : i32
      %div3A_81 = arith.divsi %sub3A_79, %jit3A_80 : i32
      %sign3A_82 = arith.constant 0 : i32
      %sign3A_83 = arith.cmpi sgt, %sub3A_79, %sign3A_82 : i32
      %sign3A_84 = arith.extui %sign3A_83 : i1 to i32
      %sign3A_85 = arith.constant 0 : i32
      %sign3A_86 = arith.cmpi slt, %sub3A_79, %sign3A_85 : i32
      %sign3A_87 = arith.extui %sign3A_86 : i1 to i32
      %sign3A_88 = arith.subi %sign3A_84, %sign3A_87 : i32
      %sign3A_89 = arith.constant 0 : i32
      %sign3A_90 = arith.cmpi sgt, %jit3A_80, %sign3A_89 : i32
      %sign3A_91 = arith.extui %sign3A_90 : i1 to i32
      %sign3A_92 = arith.constant 0 : i32
      %sign3A_93 = arith.cmpi slt, %jit3A_80, %sign3A_92 : i32
      %sign3A_94 = arith.extui %sign3A_93 : i1 to i32
      %sign3A_95 = arith.subi %sign3A_91, %sign3A_94 : i32
      %ne3A_96 = arith.cmpi ne, %sign3A_88, %sign3A_95 : i32
      %rem3A_97 = arith.remsi %sub3A_79, %jit3A_80 : i32
      %ne3A_98 = arith.constant 0 : i32
      %ne3A_99 = arith.cmpi ne, %rem3A_97, %ne3A_98 : i32
      %and3A_100 = arith.andi %ne3A_96, %ne3A_99 : i1
      %sub3A_101 = arith.constant 1 : i32
      %sub3A_102 = arith.subi %div3A_81, %sub3A_101 : i32
      %select_n3A_103 = arith.select %and3A_100, %sub3A_102, %div3A_81 : i32
      %mul3A_104 = arith.constant 4 : i32
      %mul3A_105 = arith.muli %select_n3A_103, %mul3A_104 : i32
      %add3A_106 = arith.constant 0 : i32
      %add3A_107 = arith.addi %mul3A_105, %add3A_106 : i32
      %mul3A_108 = arith.constant 32 : i32
      %mul3A_109 = arith.muli %add3A_107, %mul3A_108 : i32
      %add3A_110 = arith.addi %add3A, %mul3A_109 : i32
      %mul3A_111 = arith.constant 8000 : i32
      %mul3A_112 = arith.muli %add3A_110, %mul3A_111 : i32
      %dma_wait3A = tpu.memref_slice %arg6[%mul3A_112] : memref<5000000xf32, #tpu.memory_space<hbm>> -> memref<8000xf32, #tpu.memory_space<hbm>>
      %dma_wait3A_113 = tpu.memref_slice %arg6[%mul3A_112] : memref<5000000xf32, #tpu.memory_space<hbm>> -> memref<8000xf32, #tpu.memory_space<hbm>>
      tpu.wait_dma2 semaphore(%arg29 : memref<!tpu.dma_semaphore, #tpu.memory_space<semaphore_mem>>) src(%arg17 : memref<8000xf32, #tpu.memory_space<vmem>>) dst(%dma_wait3A_113 : memref<8000xf32, #tpu.memory_space<hbm>>)
    } else {
    }
    %ge3A_61 = arith.constant 2 : i32
    %ge3A_62 = arith.cmpi sge, %select_n3A, %ge3A_61 : i32
    %convert_element_type3A_63 = arith.extui %ge3A_62 : i1 to i32
    %cond3A_64 = arith.constant 0 : i32
    %cond3A_65 = arith.cmpi ne, %convert_element_type3A_63, %cond3A_64 : i32
    scf.if %cond3A_65 {
      %sub3A_76 = arith.constant 1 : i32
      %sub3A_77 = arith.subi %select_n3A, %sub3A_76 : i32
      %sub3A_78 = arith.constant 1 : i32
      %sub3A_79 = arith.subi %sub3A_77, %sub3A_78 : i32
      %jit3A_80 = arith.constant 4 : i32
      %div3A_81 = arith.divsi %sub3A_79, %jit3A_80 : i32
      %sign3A_82 = arith.constant 0 : i32
      %sign3A_83 = arith.cmpi sgt, %sub3A_79, %sign3A_82 : i32
      %sign3A_84 = arith.extui %sign3A_83 : i1 to i32
      %sign3A_85 = arith.constant 0 : i32
      %sign3A_86 = arith.cmpi slt, %sub3A_79, %sign3A_85 : i32
      %sign3A_87 = arith.extui %sign3A_86 : i1 to i32
      %sign3A_88 = arith.subi %sign3A_84, %sign3A_87 : i32
      %sign3A_89 = arith.constant 0 : i32
      %sign3A_90 = arith.cmpi sgt, %jit3A_80, %sign3A_89 : i32
      %sign3A_91 = arith.extui %sign3A_90 : i1 to i32
      %sign3A_92 = arith.constant 0 : i32
      %sign3A_93 = arith.cmpi slt, %jit3A_80, %sign3A_92 : i32
      %sign3A_94 = arith.extui %sign3A_93 : i1 to i32
      %sign3A_95 = arith.subi %sign3A_91, %sign3A_94 : i32
      %ne3A_96 = arith.cmpi ne, %sign3A_88, %sign3A_95 : i32
      %rem3A_97 = arith.remsi %sub3A_79, %jit3A_80 : i32
      %ne3A_98 = arith.constant 0 : i32
      %ne3A_99 = arith.cmpi ne, %rem3A_97, %ne3A_98 : i32
      %and3A_100 = arith.andi %ne3A_96, %ne3A_99 : i1
      %sub3A_101 = arith.constant 1 : i32
      %sub3A_102 = arith.subi %div3A_81, %sub3A_101 : i32
      %select_n3A_103 = arith.select %and3A_100, %sub3A_102, %div3A_81 : i32
      %mul3A_104 = arith.constant 4 : i32
      %mul3A_105 = arith.muli %select_n3A_103, %mul3A_104 : i32
      %add3A_106 = arith.constant 1 : i32
      %add3A_107 = arith.addi %mul3A_105, %add3A_106 : i32
      %mul3A_108 = arith.constant 32 : i32
      %mul3A_109 = arith.muli %add3A_107, %mul3A_108 : i32
      %add3A_110 = arith.addi %add3A, %mul3A_109 : i32
      %mul3A_111 = arith.constant 8000 : i32
      %mul3A_112 = arith.muli %add3A_110, %mul3A_111 : i32
      %dma_wait3A = tpu.memref_slice %arg6[%mul3A_112] : memref<5000000xf32, #tpu.memory_space<hbm>> -> memref<8000xf32, #tpu.memory_space<hbm>>
      %dma_wait3A_113 = tpu.memref_slice %arg6[%mul3A_112] : memref<5000000xf32, #tpu.memory_space<hbm>> -> memref<8000xf32, #tpu.memory_space<hbm>>
      tpu.wait_dma2 semaphore(%arg30 : memref<!tpu.dma_semaphore, #tpu.memory_space<semaphore_mem>>) src(%arg18 : memref<8000xf32, #tpu.memory_space<vmem>>) dst(%dma_wait3A_113 : memref<8000xf32, #tpu.memory_space<hbm>>)
    } else {
    }
    %ge3A_66 = arith.constant 3 : i32
    %ge3A_67 = arith.cmpi sge, %select_n3A, %ge3A_66 : i32
    %convert_element_type3A_68 = arith.extui %ge3A_67 : i1 to i32
    %cond3A_69 = arith.constant 0 : i32
    %cond3A_70 = arith.cmpi ne, %convert_element_type3A_68, %cond3A_69 : i32
    scf.if %cond3A_70 {
      %sub3A_76 = arith.constant 1 : i32
      %sub3A_77 = arith.subi %select_n3A, %sub3A_76 : i32
      %sub3A_78 = arith.constant 2 : i32
      %sub3A_79 = arith.subi %sub3A_77, %sub3A_78 : i32
      %jit3A_80 = arith.constant 4 : i32
      %div3A_81 = arith.divsi %sub3A_79, %jit3A_80 : i32
      %sign3A_82 = arith.constant 0 : i32
      %sign3A_83 = arith.cmpi sgt, %sub3A_79, %sign3A_82 : i32
      %sign3A_84 = arith.extui %sign3A_83 : i1 to i32
      %sign3A_85 = arith.constant 0 : i32
      %sign3A_86 = arith.cmpi slt, %sub3A_79, %sign3A_85 : i32
      %sign3A_87 = arith.extui %sign3A_86 : i1 to i32
      %sign3A_88 = arith.subi %sign3A_84, %sign3A_87 : i32
      %sign3A_89 = arith.constant 0 : i32
      %sign3A_90 = arith.cmpi sgt, %jit3A_80, %sign3A_89 : i32
      %sign3A_91 = arith.extui %sign3A_90 : i1 to i32
      %sign3A_92 = arith.constant 0 : i32
      %sign3A_93 = arith.cmpi slt, %jit3A_80, %sign3A_92 : i32
      %sign3A_94 = arith.extui %sign3A_93 : i1 to i32
      %sign3A_95 = arith.subi %sign3A_91, %sign3A_94 : i32
      %ne3A_96 = arith.cmpi ne, %sign3A_88, %sign3A_95 : i32
      %rem3A_97 = arith.remsi %sub3A_79, %jit3A_80 : i32
      %ne3A_98 = arith.constant 0 : i32
      %ne3A_99 = arith.cmpi ne, %rem3A_97, %ne3A_98 : i32
      %and3A_100 = arith.andi %ne3A_96, %ne3A_99 : i1
      %sub3A_101 = arith.constant 1 : i32
      %sub3A_102 = arith.subi %div3A_81, %sub3A_101 : i32
      %select_n3A_103 = arith.select %and3A_100, %sub3A_102, %div3A_81 : i32
      %mul3A_104 = arith.constant 4 : i32
      %mul3A_105 = arith.muli %select_n3A_103, %mul3A_104 : i32
      %add3A_106 = arith.constant 2 : i32
      %add3A_107 = arith.addi %mul3A_105, %add3A_106 : i32
      %mul3A_108 = arith.constant 32 : i32
      %mul3A_109 = arith.muli %add3A_107, %mul3A_108 : i32
      %add3A_110 = arith.addi %add3A, %mul3A_109 : i32
      %mul3A_111 = arith.constant 8000 : i32
      %mul3A_112 = arith.muli %add3A_110, %mul3A_111 : i32
      %dma_wait3A = tpu.memref_slice %arg6[%mul3A_112] : memref<5000000xf32, #tpu.memory_space<hbm>> -> memref<8000xf32, #tpu.memory_space<hbm>>
      %dma_wait3A_113 = tpu.memref_slice %arg6[%mul3A_112] : memref<5000000xf32, #tpu.memory_space<hbm>> -> memref<8000xf32, #tpu.memory_space<hbm>>
      tpu.wait_dma2 semaphore(%arg31 : memref<!tpu.dma_semaphore, #tpu.memory_space<semaphore_mem>>) src(%arg19 : memref<8000xf32, #tpu.memory_space<vmem>>) dst(%dma_wait3A_113 : memref<8000xf32, #tpu.memory_space<hbm>>)
    } else {
    }
    %ge3A_71 = arith.constant 4 : i32
    %ge3A_72 = arith.cmpi sge, %select_n3A, %ge3A_71 : i32
    %convert_element_type3A_73 = arith.extui %ge3A_72 : i1 to i32
    %cond3A_74 = arith.constant 0 : i32
    %cond3A_75 = arith.cmpi ne, %convert_element_type3A_73, %cond3A_74 : i32
    scf.if %cond3A_75 {
      %sub3A_76 = arith.constant 1 : i32
      %sub3A_77 = arith.subi %select_n3A, %sub3A_76 : i32
      %sub3A_78 = arith.constant 3 : i32
      %sub3A_79 = arith.subi %sub3A_77, %sub3A_78 : i32
      %jit3A_80 = arith.constant 4 : i32
      %div3A_81 = arith.divsi %sub3A_79, %jit3A_80 : i32
      %sign3A_82 = arith.constant 0 : i32
      %sign3A_83 = arith.cmpi sgt, %sub3A_79, %sign3A_82 : i32
      %sign3A_84 = arith.extui %sign3A_83 : i1 to i32
      %sign3A_85 = arith.constant 0 : i32
      %sign3A_86 = arith.cmpi slt, %sub3A_79, %sign3A_85 : i32
      %sign3A_87 = arith.extui %sign3A_86 : i1 to i32
      %sign3A_88 = arith.subi %sign3A_84, %sign3A_87 : i32
      %sign3A_89 = arith.constant 0 : i32
      %sign3A_90 = arith.cmpi sgt, %jit3A_80, %sign3A_89 : i32
      %sign3A_91 = arith.extui %sign3A_90 : i1 to i32
      %sign3A_92 = arith.constant 0 : i32
      %sign3A_93 = arith.cmpi slt, %jit3A_80, %sign3A_92 : i32
      %sign3A_94 = arith.extui %sign3A_93 : i1 to i32
      %sign3A_95 = arith.subi %sign3A_91, %sign3A_94 : i32
      %ne3A_96 = arith.cmpi ne, %sign3A_88, %sign3A_95 : i32
      %rem3A_97 = arith.remsi %sub3A_79, %jit3A_80 : i32
      %ne3A_98 = arith.constant 0 : i32
      %ne3A_99 = arith.cmpi ne, %rem3A_97, %ne3A_98 : i32
      %and3A_100 = arith.andi %ne3A_96, %ne3A_99 : i1
      %sub3A_101 = arith.constant 1 : i32
      %sub3A_102 = arith.subi %div3A_81, %sub3A_101 : i32
      %select_n3A_103 = arith.select %and3A_100, %sub3A_102, %div3A_81 : i32
      %mul3A_104 = arith.constant 4 : i32
      %mul3A_105 = arith.muli %select_n3A_103, %mul3A_104 : i32
      %add3A_106 = arith.constant 3 : i32
      %add3A_107 = arith.addi %mul3A_105, %add3A_106 : i32
      %mul3A_108 = arith.constant 32 : i32
      %mul3A_109 = arith.muli %add3A_107, %mul3A_108 : i32
      %add3A_110 = arith.addi %add3A, %mul3A_109 : i32
      %mul3A_111 = arith.constant 8000 : i32
      %mul3A_112 = arith.muli %add3A_110, %mul3A_111 : i32
      %dma_wait3A = tpu.memref_slice %arg6[%mul3A_112] : memref<5000000xf32, #tpu.memory_space<hbm>> -> memref<8000xf32, #tpu.memory_space<hbm>>
      %dma_wait3A_113 = tpu.memref_slice %arg6[%mul3A_112] : memref<5000000xf32, #tpu.memory_space<hbm>> -> memref<8000xf32, #tpu.memory_space<hbm>>
      tpu.wait_dma2 semaphore(%arg32 : memref<!tpu.dma_semaphore, #tpu.memory_space<semaphore_mem>>) src(%arg20 : memref<8000xf32, #tpu.memory_space<vmem>>) dst(%dma_wait3A_113 : memref<8000xf32, #tpu.memory_space<hbm>>)
    } else {
    }
    return
  }
}

</mosaic_0001>

<sc_bundles>
// kernel: kernel.3.cloned.1.call-start
scs
__scs_entry_jumppad:
0x0: {  	(pc) =	sbr.rel $0x88, $3  }
0x1: {  	(tag) =	ssettag $0x0;
	lr =	simm.s32 $0x1  }
0x2: {  	[smem:$0x3F9D] =	sst lr;
	_ =	strace $0xD0000000  }
0x3: {  	_ = 	snop  }
0x4: {  	_ = 	snop  }
0x5: {  	_ = 	snop  }
0x6: {  	_ = 	snop  }
0x7: {  	_ = 	snop  }
__scs_overlays_trampoline_lowered:
0x8: {  	[smem:$0x3FAC] =	sst s0  }
0x9: {  	[smem:$0x3FAD] =	sst s1  }
0xa: {  	[smem:$0x3FAE] =	sst s2  }
0xb: {  	[smem:$0x3FAF] =	sst s3  }
0xc: {  	[smem:$0x3FB0] =	sst s4  }
0xd: {  	[smem:$0x3FB1] =	sst s5  }
0xe: {  	[smem:$0x3FB2] =	sst s6  }
0xf: {  	[smem:$0x3FB3] =	sst s7  }
0x10: {  	[smem:$0x3FB4] =	sst s8  }
0x11: {  	[smem:$0x3FB5] =	sst s9;
	s0 =	simm.s32 @!p0 $0x0  }
0x12: {  	s1 =	sld [smem:$0x3F9B];
	s0 =	simm.s32 @p0 $0x1  }
0x13: {  	[smem:$0x3FB6] =	sst s0;
	s0 =	simm.s32 @!p1 $0x0  }
0x14: {  	s2 =	sld [smem:$0x3F9A];
	s0 =	simm.s32 @p1 $0x1  }
0x15: {  	[smem:$0x3FB7] =	sst s0;
	s0 =	simm.s32 @!p2 $0x0  }
0x16: {  	s3 =	sld [smem:$0x3FDB];
	s0 =	simm.s32 @p2 $0x1  }
0x17: {  	s4 =	simm.s32 $0x1BF5;
	[smem:$0x3FB9] =	sst s0  }
0x18: {  	s0 =	sld [smem:$0x3F9C];
	_ =	swait.ge [sflag:s4], $0x0  }
0x19: {  	s7 =	sld [smem:$0x3F9D]  }
0x1a: {  	s8 =	sadd.s32 $0xFFFFE003, lr  }
0x1b: {  	s9 =	sadd.s32 $0xFFFFFEF7, lr;
	s5 =	simm.s32 $0xFFFFFFFF;
	p2 =	slt.u32 s8, $0xFFFFF086  }
0x1c: {  	p1 =	slt.u32 s9, $0xF7A;
	s5 =	simm.s32 @!p2 $0x0  }
0x1d: {  	s5 =	simm.s32 @p1 $0x1;
	p0 =	seq.s32 s7, s2  }
0x1e: {  	s7 =	smul.u32 @!p0 $0xF7A, s2;
	p2 =	seq.s32 @!p0 s5, $0x0  }
0x1f: {  	s9 =	smul.u32 $0xF7A, s1;
	s8 =	simm.s32 @!p0 $0x1BF5;
	p2 =	por !p2, p0  }
0x20: {  	[sflag:s8] =	ssyncset.s32 @!p0 $0xFFFFF086;
	s6 =	sadd.s32 @!p0 s3, s7;
	s7 =	simm.s32 @!p0 $0x108  }
0x21: {  	s3 =	sadd.s32 s3, s9;
	s6 =	sadd.s32 @!p0 $0x88, s6;
	s7 =	simm.s32 @p2 $0x1082  }
0x22: {  	[simem:s7], [sflag:s8] =	dma.local @!p0 [hbm:s6], $0xF7A  }
0x23: {  	s9 =	sor.u32 $0xD0000000, s2;
	s6 =	simm.s32 $0x108;
	_ =	swait.ge @!p0 [sflag:s8], $0x0  }
0x24: {  	s3 =	sadd.s32 $0x88, s3;
	s6 =	simm.s32 @!p1 $0x1082;
	[sflag:s4] =	ssyncset.s32 $0xFFFFF086  }
0x25: {  	[simem:s6], [sflag:s4] =	dma.local [hbm:s3], $0xF7A  }
0x26: {  	[smem:$0x3F9D] =	sst s1;
	(tag) =	ssettag s2;
	_ =	strace s9  }
0x27: {  	s1 =	sld [smem:$0x3FAD]  }
0x28: {  	s2 =	sld [smem:$0x3FAE]  }
0x29: {  	s4 =	sld [smem:$0x3FB0]  }
0x2a: {  	p0 =	seq.s32 s5, $0x0;
	s5 =	sld [smem:$0x3FB1]  }
0x2b: {  	s6 =	sld [smem:$0x3FB2]  }
0x2c: {  	s7 =	sld [smem:$0x3FB3]  }
0x2d: {  	s3 =	simm.s32 $0x108;
	s8 =	sld [smem:$0x3FB4]  }
0x2e: {  	s3 =	simm.s32 @!p0 $0x1082;
	s9 =	sld [smem:$0x3FB5]  }
0x2f: {  	lr =	sadd.s32 s0, s3;
	s0 =	sld [smem:$0x3FAC]  }
0x30: {  	s3 =	sld [smem:$0x3FAF]  }
0x31: {  	[smem:$0x3FB8] =	sst s10  }
0x32: {  	s10 =	sld [smem:$0x3FB6];
	_ =	sdelay $0x3  }
0x33: {  	p0 =	seq.s32 s10, $0x1;
	s10 =	sld [smem:$0x3FB8];
	_ =	sdelay $0x3  }
0x34: {  	[smem:$0x3FB8] =	sst s10  }
0x35: {  	s10 =	sld [smem:$0x3FB7];
	_ =	sdelay $0x3  }
0x36: {  	p1 =	seq.s32 s10, $0x1;
	s10 =	sld [smem:$0x3FB8];
	_ =	sdelay $0x3  }
0x37: {  	[smem:$0x3FB8] =	sst s10  }
0x38: {  	s10 =	sld [smem:$0x3FB9]  }
0x39: {  	_ = 	snop;
	(pc) =	sbr.ind lr, $3  }
0x3a: {  	_ = 	snop  }
0x3b: {  	_ = 	snop  }
0x3c: {  	p2 =	seq.s32 s10, $0x1;
	s10 =	sld [smem:$0x3FB8]  }
0x3d: {  	_ =	shalt  }
0x3e: {  	_ =	shalt  }
0x3f: {  	_ =	shalt  }
0x40: {  	_ =	shalt  }
0x41: {  	_ =	shalt  }
0x42: {  	_ =	shalt  }
0x43: {  	_ =	shalt  }
0x44: {  	_ =	shalt  }
0x45: {  	_ =	shalt  }
0x46: {  	_ =	shalt  }
0x47: {  	_ =	shalt  }
0x48: {  	_ =	shalt  }
0x49: {  	_ =	shalt  }
0x4a: {  	_ =	shalt  }
0x4b: {  	_ =	shalt  }
0x4c: {  	_ =	shalt  }
0x4d: {  	_ =	shalt  }
0x4e: {  	_ =	shalt  }
0x4f: {  	_ =	shalt  }
0x50: {  	_ =	shalt  }
0x51: {  	_ =	shalt  }
0x52: {  	_ =	shalt  }
0x53: {  	_ =	shalt  }
0x54: {  	_ =	shalt  }
0x55: {  	_ =	shalt  }
0x56: {  	_ =	shalt  }
0x57: {  	_ =	shalt  }
0x58: {  	_ =	shalt  }
0x59: {  	_ =	shalt  }
0x5a: {  	_ =	shalt  }
0x5b: {  	_ =	shalt  }
0x5c: {  	_ =	shalt  }
0x5d: {  	_ =	shalt  }
0x5e: {  	_ =	shalt  }
0x5f: {  	_ =	shalt  }
0x60: {  	_ =	shalt  }
0x61: {  	_ =	shalt  }
0x62: {  	_ =	shalt  }
0x63: {  	_ =	shalt  }
0x64: {  	_ =	shalt  }
0x65: {  	_ =	shalt  }
0x66: {  	_ =	shalt  }
0x67: {  	_ =	shalt  }
0x68: {  	_ =	shalt  }
0x69: {  	_ =	shalt  }
0x6a: {  	_ =	shalt  }
0x6b: {  	_ =	shalt  }
0x6c: {  	_ =	shalt  }
0x6d: {  	_ =	shalt  }
0x6e: {  	_ =	shalt  }
0x6f: {  	_ =	shalt  }
0x70: {  	_ =	shalt  }
0x71: {  	_ =	shalt  }
0x72: {  	_ =	shalt  }
0x73: {  	_ =	shalt  }
0x74: {  	_ =	shalt  }
0x75: {  	_ =	shalt  }
0x76: {  	_ =	shalt  }
0x77: {  	_ =	shalt  }
0x78: {  	_ =	shalt  }
0x79: {  	_ =	shalt  }
0x7a: {  	_ =	shalt  }
0x7b: {  	_ =	shalt  }
0x7c: {  	_ =	shalt  }
0x7d: {  	_ =	shalt  }
0x7e: {  	_ =	shalt  }
0x7f: {  	_ =	shalt  }
0x80: {  	_ =	shalt  }
0x81: {  	_ =	shalt  }
0x82: {  	_ =	shalt  }
0x83: {  	_ =	shalt  }
0x84: {  	_ =	shalt  }
0x85: {  	_ =	shalt  }
0x86: {  	_ =	shalt  }
0x87: {  	_ =	shalt  }
.Lfunc_end0:
.L_simem_size_0:
called_computation_lowered:
.L_overlay_start_0:
0x88: {  	s2 =	sld [smem:$0x3FD9]  }
0x89: {  	s3 =	sld [smem:$0x3FFE];
	_ =	sdelay $0x1  }
0x8a: {  	s1 =	srdreg.scid  }
0x8b: {  	s0 =	sand.u32 $0x1, s1  }
0x8c: {  	s18 =	sshll.u32 s0, $0xA;
	s2 =	sadd.s32 s3, s2  }
0x8d: {  	s2 =	sadd.s32 s2, s18  }
0x8e: {  	[smem:$0x3FC4] =	sst s2  }
0x8f: {  	_ = 	snop  }
0x90: {  	s2 =	sld [smem:$0x3FC9]  }
0x91: {  	s19 =	sld [smem:$0x3FC8]  }
0x92: {  	s4 =	sld [smem:$0x3FC7]  }
0x93: {  	s5 =	sld [smem:$0x3FC6]  }
0x94: {  	s6 =	sld [smem:$0x3FD0];
	(tm) =	ssettm $0x1  }
0x95: {  	s7 =	sld [smem:$0x3FFB];
	_ =	sdelay $0x3  }
0x96: {  	_ =	strace s7  }
0x97: {  	s7 =	sld [smem:$0x3FFC];
	_ =	sdelay $0x3  }
0x98: {  	_ =	strace s7  }
0x99: {  	s7 =	sld [smem:$0x3FFD];
	_ =	sdelay $0x3  }
0x9a: {  	_ =	strace s7  }
0x9b: {  	_ =	strace $0x8FFFFFFF  }
0x9c: {  	s20 =	sld [smem:$0x3FDB];
	_ =	sdelay $0x1  }
0x9d: {  	s8 =	simm.s32 $_scs_section_size  }
0x9e: {  	s9 =	simm.s32 $_size__tile_overlayer_lowered;
	s10 =	simm.s32 $_tile_overlayer_lowered  }
0x9f: {  	s23 =	simm.s32 $0x1BFF;
	s22 =	sshll.u32 s10, $0x1;
	s7 =	sadd.s32 s8, s20  }
0xa0: {  	s11 =	simm.s32 $0x0;
	s21 =	sshll.u32 s9, $0x1;
	s9 =	sadd.s32 s22, s7  }
0xa1: {  	[timem:s11], [sflag:s23] =	dma.local [hbm:s9], s21  }
0xa2: {  	_ =	swait.ge [sflag:s23], s21  }
0xa3: {  	s8 =	ssub.s32 $0x0, s21;
	[sflag:s23] =	ssyncset.done $0x0  }
0xa4: {  	[sflag:s23] =	ssyncadd.s32 s8;
	_ =	sdelay $0x1  }
0xa5: {  	s24 =	simm.s32 $0x1B8B  }
0xa6: {  	_ =	swait.ge [sflag:s24], $0x1  }
0xa7: {  	[sflag:s24] =	ssyncset.done $0x0  }
0xa8: {  	s25 =	simm.s32 $0x1B8E;
	[sflag:s24] =	ssyncadd.s32 $0xFFFFFFFF  }
0xa9: {  	s26 =	simm.s32 $execute0_lowered;
	[smem:$0x3FD2] =	sst s25  }
0xaa: {  	s8 =	sshll.u32 s26, $0x1;
	_ =	strace $0x80000046;
	[dreg:$0x1] =	wrdreg $0xFFFFFFFF  }
0xab: {  	s28 =	simm.s32 $_size_execute0_lowered;
	s7 =	sadd.s32 s7, s8;
	[dreg:$0x0] =	wrdreg $0x0  }
0xac: {  	s8 =	sshll.u32 s28, $0x1;
	[dreg:$0x2] =	wrdreg s7  }
0xad: {  	[dreg:$0x3] =	wrdreg s8  }
0xae: {  	[dreg:$0x4] =	wrdreg $0xC0  }
0xaf: {  	_ =	task [dreg:s11], $0x5FFFF  }
0xb0: {  	[dreg:$0x1] =	wrdreg $0xFFFFFFFF  }
0xb1: {  	[dreg:$0x0] =	wrdreg $0x60  }
0xb2: {  	[dreg:$0x2] =	wrdreg s2  }
0xb3: {  	[dreg:$0x3] =	wrdreg s19  }
0xb4: {  	[dreg:$0x4] =	wrdreg s4  }
0xb5: {  	[dreg:$0x5] =	wrdreg s5  }
0xb6: {  	[dreg:$0x6] =	wrdreg s6  }
0xb7: {  	[dreg:$0x7] =	wrdreg $0x9  }
0xb8: {  	_ =	task.clear_ibuf [dreg:s11], $0x8FFFF;
	_ =	strace $0x90000046  }
0xb9: {  	s29 =	simm.s32 $0x9;
	_ =	strace $0x80000048  }
0xba: {  	_ =	swait.ge [sflag:s29], $0x1  }
0xbb: {  	[sflag:s29] =	ssyncadd.s32 $0xFFFFFFFF  }
0xbc: {  	_ =	strace $0x90000048  }
0xbd: {  	_ =	sfence  }
0xbe: {  	s30 =	sld [smem:$0x0];
	_ =	sdelay $0x2  }
0xbf: {  	s31 =	sshll.u32 s1, $0xD;
	s1 =	sshrl.u32 s1, $0x2  }
0xc0: {  	s3 =	sand.u32 $0x4000, s31;
	s1 =	sadd.s32 s1, s30  }
0xc1: {  	s0 =	sor.u32 s3, s0;
	s1 =	sshll.u32 s1, $0x11  }
0xc2: {  	s0 =	sor.u32 s1, s0  }
0xc3: {  	s0 =	sadd.s32 $0x8F2B, s0  }
0xc4: {  	[sflag:s0] =	ssyncadd.remote.s32 $0x1  }
0xc5: {  	_ =	sfence.sel $0xFFFF  }
0xc6: {  	[dreg:$0x0] =	wrdreg $0xFFFFFFFF;
	(pc) =	sbr.abs _section_cstart, $3  }
0xc7: {  	[dreg:$0x1] =	wrdreg $0xFFFFFFFF  }
0xc8: {  	_ =	task.clear_ibuf [dreg:s11], $0x2FFFF;
	_ =	strace $0x9FFFFFFF  }
0xc9: {  	(tm) =	ssettm $0x7FFFFFFF  }
tec
execute0_lowered:
.L_overlay_start_1:
0x0: {  	(tag) =	ssettag $0x1  }
0x1: {  	s0 =	rddreg [dreg:$0x0]  }
0x2: {  	s2 =	rddreg [dreg:$0x1]  }
0x3: {  	s1 =	srdreg.scid;
	s3 =	stileid.u32  }
0x4: {  	s6 =	rddreg [dreg:$0x4];
	s8 =	simm.s32 $0x0;
	s28 =	simm.s32 $0x2  }
0x5: {  	s29 =	simm.s32 $0x6;
	s30 =	simm.s32 $0x11C80;
	s31 =	simm.s32 $0x3  }
0x6: {  	s9 =	simm.s32 $0x8;
	s1 =	sand.u32 $0x1, s1;
	s3 =	sshll.u32 s3, $0x1  }
0x7: {  	s10 =	simm.s32 $0x15B80;
	s13 =	simm.s32 $0x0;
	s7 =	sor.u32 s1, s3  }
0x8: {  	[smem:$0x7FF] =	sst s8;
	s1 =	ssub.s32 $0x2, s1;
	s3 =	smul.u32 $0x1F40, s7  }
0x9: {  	_ =	strace $0x80000047;
	s4 =	sshrl.u32 s1, $0x1;
	s5 =	smul.u32 $0x3E8, s7  }
0xa: {  	s17 =	sor.u32 $0x80, s7;
	s18 =	sor.u32 $0xA0, s7;
	s19 =	sor.u32 $0xC0, s7  }
0xb: {  	s1 =	ssub.s32 s1, s4;
	s3 =	sshrl.u32 s3, $0x3;
	s20 =	sadd.s32 s0, s5  }
0xc: {  	s21 =	sadd.s32 s2, s5;
	s1 =	smax.u32 s1, $0x1;
	[dreg:$0x6] =	wrdreg s20  }
0xd: {  	s5 =	simm.s32 $0x1;
	[dreg:$0x7] =	wrdreg s21;
	s22 =	sadd.s32 $0x7D00, s3  }
0xe: {  	s24 =	sadd.s32 $0xFA00, s3;
	[dreg:$0xe] =	wrdreg s1;
	s23 =	sadd.s32 s0, s22  }
0xf: {  	s3 =	sadd.s32 $0x17700, s3;
	s4 =	sadd.s32 s2, s22;
	[dreg:$0x8] =	wrdreg s23  }
0x10: {  	s20 =	sor.u32 $0xE0, s7;
	s25 =	sadd.s32 s0, s24;
	[dreg:$0x9] =	wrdreg s4  }
.Ltmp0:
0x11: {  	s26 =	sadd.s32 s0, s3;
	[dreg:$0xa] =	wrdreg s25;
	(pc) =	sbr.rel .LBB2_1-.Ltmp0, $4  }
0x12: {  	s1 =	simm.s32 $0x13C00;
	s3 =	sadd.s32 s2, s3;
	[dreg:$0xc] =	wrdreg s26  }
0x13: {  	s22 =	sadd.s32 $0x7D00, s6;
	s4 =	sadd.s32 s2, s24;
	[dreg:$0xd] =	wrdreg s3  }
0x14: {  	s23 =	sadd.s32 $0xFA00, s6;
	s25 =	simm.s32 $0x5;
	s26 =	simm.s32 $0xFD00  }
0x15: {  	s3 =	simm.s32 $0x4;
	[dreg:$0xb] =	wrdreg s4;
	s4 =	simm.s32 $0x7  }
.LBB2_13:
0x16: {  	s11 =	simm.s32 $0x9  }
0x17: {  	_ =	swait.ge [sflag:s11], $0x1F40  }
0x18: {  	[sflag:s11] =	ssyncset.done $0x0  }
0x19: {  	s16 =	simm.s32 $0xA;
	[sflag:s11] =	ssyncadd.s32 $0xFFFFE0C0  }
0x1a: {  	_ =	swait.ge [sflag:s16], $0x1F40  }
0x1b: {  	[sflag:s16] =	ssyncset.done $0x0  }
0x1c: {  	s21 =	simm.s32 $0xB;
	[sflag:s16] =	ssyncadd.s32 $0xFFFFE0C0  }
0x1d: {  	_ =	swait.ge [sflag:s21], $0x1F40  }
0x1e: {  	[sflag:s21] =	ssyncset.done $0x0  }
0x1f: {  	s12 =	simm.s32 $0xC;
	[sflag:s21] =	ssyncadd.s32 $0xFFFFE0C0  }
0x20: {  	_ =	swait.ge [sflag:s12], $0x1F40  }
0x21: {  	s13 =	rddreg [dreg:$0xf]  }
0x22: {  	s24 =	rddreg [dreg:$0xe];
	s13 =	sadd.s32 $0x1, s13  }
0x23: {  	p0 =	sne.s32 s13, s24  }
.Ltmp1:
0x24: {  	_ = 	snop;
	(pc) =	sbr.rel @!p0 .LBB2_14-.Ltmp1, $3  }
0x25: {  	_ =	sdelay $0x1  }
0x26: {  	[sflag:s12] =	ssyncset.done $0x0  }
0x27: {  	[sflag:s12] =	ssyncadd.s32 $0xFFFFE0C0  }
.LBB2_1:
0x28: {  	[dreg:$0xf] =	wrdreg s13  }
0x29: {  	s11 =	rddreg [dreg:$0x2];
	s12 =	simm.s32 $0xD  }
0x2a: {  	[tilespmem:s8], [sflag:$0xD] =	stream.linear.gather [hbm4b:s11+s8], $0x4, $0x38;
	[tilespmem:$0x17B00] =	vst v63  }
0x2b: {  	_ =	swait.ge [sflag:s12], $0x4  }
0x2c: {  	[sflag:s12] =	ssyncset.done $0x0  }
0x2d: {  	[sflag:s12] =	ssyncadd.s32 $0xFFFFFFFC  }
0x2e: {  	s14 =	simm.s32 $0x80;
	s13 =	rddreg [dreg:$0x3]  }
0x2f: {  	[tilespmem:s14], [sflag:$0xD] =	stream.linear.gather [hbm4b:s13+s8], $0x4, $0x38;
	[tilespmem:$0x17B00] =	vst v63  }
0x30: {  	_ =	swait.ge [sflag:s12], $0x4  }
0x31: {  	[sflag:s12] =	ssyncset.done $0x0  }
0x32: {  	[sflag:s12] =	ssyncadd.s32 $0xFFFFFFFC  }
0x33: {  	s16 =	simm.s32 $0x100;
	s15 =	rddreg [dreg:$0x6];
	v0 =	vld [tilespmem:$0x0]  }
0x34: {  	v1 =	vld [tilespmem:$0x80];
	[tilespmem:s16], [sflag:$0x1] =	stream.linear.gather [hbm4b:s15+s8], $0x1F40, $0x38  }
0x35: {  	s24 =	simm.s32 $0x7F00;
	s21 =	rddreg [dreg:$0x7]  }
0x36: {  	[tilespmem:s24], [sflag:$0x5] =	stream.linear.gather [hbm4b:s21+s8], $0x1F40, $0x38;
	[tilespmem:$0x17B00] =	vst v63  }
0x37: {  	s14 =	simm.s32 $0x2080;
	s13 =	rddreg [dreg:$0x8]  }
0x38: {  	[tilespmem:s14], [sflag:$0x2] =	stream.linear.gather [hbm4b:s13+s8], $0x1F40, $0x38;
	[tilespmem:$0x17B00] =	vst v63  }
0x39: {  	s15 =	rddreg [dreg:$0x9];
	s16 =	simm.s32 $0x9E80  }
0x3a: {  	[tilespmem:s16], [sflag:$0x6] =	stream.linear.gather [hbm4b:s15+s8], $0x1F40, $0x38;
	[tilespmem:$0x17B00] =	vst v63  }
0x3b: {  	s21 =	rddreg [dreg:$0xa];
	s24 =	simm.s32 $0x4000  }
0x3c: {  	[tilespmem:s24], [sflag:$0x3] =	stream.linear.gather [hbm4b:s21+s8], $0x1F40, $0x38;
	[tilespmem:$0x17B00] =	vst v63  }
0x3d: {  	s13 =	rddreg [dreg:$0xb];
	s14 =	simm.s32 $0xBE00  }
0x3e: {  	[tilespmem:s14], [sflag:$0x7] =	stream.linear.gather [hbm4b:s13+s8], $0x1F40, $0x38;
	[tilespmem:$0x17B00] =	vst v63  }
.Ltmp2:
0x3f: {  	_ = 	snop;
	(pc) =	sbr.rel .LBB2_2-.Ltmp2, $4  }
0x40: {  	s15 =	rddreg [dreg:$0xc];
	s16 =	simm.s32 $0x5F80  }
0x41: {  	[tilespmem:s16], [sflag:$0x4] =	stream.linear.gather [hbm4b:s15+s8], $0x1F40, $0x38;
	[tilespmem:$0x17B00] =	vst v63  }
0x42: {  	s21 =	rddreg [dreg:$0xd];
	s24 =	simm.s32 $0xDD80;
	s16 =	simm.s32 $0x0  }
0x43: {  	[tilespmem:s24], [sflag:$0x8] =	stream.linear.gather [hbm4b:s21+s8], $0x1F40, $0x38;
	[tilespmem:$0x17B00] =	vst v63  }
.LBB2_12:
0x44: {  	s16 =	sadd.s32 $0x1, s16  }
0x45: {  	p0 =	sne.s32 s16, $0x5  }
.Ltmp3:
0x46: {  	_ = 	snop;
	(pc) =	sbr.rel @!p0 .LBB2_13-.Ltmp3, $1  }
0x47: {  	_ =	sdelay $0x3  }
.LBB2_2:
0x48: {  	_ =	swait.ge [sflag:s5], $0x1F40  }
0x49: {  	[sflag:s5] =	ssyncset.done $0x0  }
0x4a: {  	[sflag:s5] =	ssyncadd.s32 $0xFFFFE0C0  }
0x4b: {  	_ =	swait.ge [sflag:s25], $0x1F40  }
0x4c: {  	p0 =	seq.s32 s16, $0x0;
	[sflag:s25] =	ssyncset.done $0x0  }
0x4d: {  	s11 =	simm.s32 @!p0 $0x9;
	[sflag:s25] =	ssyncadd.s32 $0xFFFFE0C0  }
0x4e: {  	_ =	swait.ge @!p0 [sflag:s11], $0x1F40  }
0x4f: {  	[sflag:s11] =	ssyncset.done @!p0 $0x0  }
0x50: {  	s21 =	simm.s32 $0x7F20;
	[sflag:s11] =	ssyncadd.s32 @!p0 $0xFFFFE0C0  }
0x51: {  	v2 =	vld [tilespmem:s21+$0x10]  }
0x52: {  	v3 =	vld [tilespmem:s21+$0xFFFFFFF0]  }
0x53: {  	v6 =	vld [tilespmem:s21+$0xFFFFFFE0]  }
0x54: {  	s12 =	simm.s32 $0x120;
	v4 =	vld [tilespmem:s21+$0x0]  }
0x55: {  	v5 =	vld [tilespmem:s12+$0x10]  }
0x56: {  	v7 =	vld [tilespmem:s12+$0xFFFFFFE0]  }
0x57: {  	v8 =	vld [tilespmem:s12+$0xFFFFFFF0];
	v2 =	vand.u32 $0xF, v2  }
0x58: {  	s24 =	simm.s32 $0x7F60;
	v10 =	vld [tilespmem:s12+$0x0];
	v3 =	vand.u32 $0xF, v3;
	v6 =	vand.u32 $0xF, v6;
	v9 =	vperm.xlane v0, v2  }
0x59: {  	v11 =	vperm.xlane v0, v3;
	v12 =	vperm.xlane v1, v3;
	v3 =	vand.u32 $0xF, v4;
	v4 =	vld [tilespmem:s24+$0x10]  }
0x5a: {  	v14 =	vld [tilespmem:s24+$0xFFFFFFF0];
	v13 =	vperm.xlane v1, v2;
	v17 =	vperm.xlane v0, v6  }
0x5b: {  	s13 =	simm.s32 $0x160;
	v16 =	vld [tilespmem:s24+$0x0];
	v18 =	vperm.xlane v1, v6;
	v9 =	vmul.f32 v5, v9  }
0x5c: {  	v15 =	vperm.xlane v0, v3;
	v8 =	vmul.f32 v8, v11;
	v5 =	vld [tilespmem:s13+$0x10]  }
0x5d: {  	v6 =	vld [tilespmem:s24+$0xFFFFFFE0];
	v2 =	vperm.xlane v1, v3;
	v17 =	vmul.f32 v7, v17;
	v13 =	vadd.f32 v9, v13  }
0x5e: {  	s12 =	simm.s32 $0xFD20;
	v3 =	vld [tilespmem:s13+$0xFFFFFFE0];
	v9 =	vmul.f32 v10, v15;
	v15 =	vadd.f32 v8, v12;
	v11 =	vand.u32 $0xF, v4  }
0x5f: {  	s21 =	sshll.u32 s16, $0x7;
	v7 =	vld [tilespmem:s13+$0xFFFFFFF0];
	v4 =	vand.u32 $0xF, v14;
	[tilespmem:s12+$0x10] =	vst v13;
	v14 =	vperm.xlane v0, v11;
	v13 =	vadd.f32 v17, v18  }
0x60: {  	s14 =	simm.s32 $0x40;
	s11 =	sor.u32 s7, s21;
	s24 =	simm.s32 $0x7FA0;
	v12 =	vand.u32 $0xF, v16;
	v8 =	vld [tilespmem:s13+$0x0];
	v10 =	vperm.xlane v0, v4;
	v4 =	vperm.xlane v1, v4;
	[tilespmem:s12+$0xFFFFFFF0] =	vst v15  }
.LBB2_3:
0x61: {  	v15 =	vld [tilespmem:s24+$0x10];
	s14 =	sadd.s32 $0x40, s14;
	v11 =	vperm.xlane v1, v11;
	v5 =	vmul.f32 v5, v14;
	[tilespmem:s12+$0xFFFFFFE0] =	vst v13;
	v9 =	vadd.f32 v9, v2  }
0x62: {  	v14 =	vperm.xlane v0, v12;
	v2 =	vperm.xlane v1, v12;
	v13 =	vld [tilespmem:s24+$0xFFFFFFF0];
	p1 =	slt.u32 s14, $0x1F00;
	v6 =	vand.u32 $0xF, v6  }
0x63: {  	s13 =	sadd.s32 $0x40, s13;
	v12 =	vld [tilespmem:s24+$0x0];
	v16 =	vperm.xlane v0, v6;
	v17 =	vperm.xlane v1, v6;
	v11 =	vadd.f32 v5, v11;
	[tilespmem:s12+$0x0] =	vst v9  }
.Ltmp4:
0x64: {  	s12 =	sadd.s32 $0x40, s12;
	v5 =	vld [tilespmem:s13+$0x10];
	v7 =	vmul.f32 v7, v10;
	(pc) =	sbr.rel @p1 .LBB2_3-.Ltmp4, $4  }
0x65: {  	v6 =	vld [tilespmem:s24+$0xFFFFFFE0];
	v10 =	vmul.f32 v3, v16;
	v9 =	vmul.f32 v8, v14;
	[tilespmem:s12+$0x10] =	vst v11  }
0x66: {  	v3 =	vld [tilespmem:s13+$0xFFFFFFE0];
	v11 =	vand.u32 $0xF, v15;
	v15 =	vadd.f32 v7, v4  }
0x67: {  	v4 =	vand.u32 $0xF, v13;
	v7 =	vld [tilespmem:s13+$0xFFFFFFF0];
	v14 =	vperm.xlane v0, v11;
	v13 =	vadd.f32 v10, v17  }
0x68: {  	s24 =	sadd.s32 $0x40, s24;
	v10 =	vperm.xlane v0, v4;
	v4 =	vperm.xlane v1, v4;
	v12 =	vand.u32 $0xF, v12;
	v8 =	vld [tilespmem:s13+$0x0];
	[tilespmem:s12+$0xFFFFFFF0] =	vst v15  }
0x69: {  	_ = 	snop  }
0x6a: {  	v11 =	vperm.xlane v1, v11;
	v6 =	vand.u32 $0xF, v6  }
0x6b: {  	v5 =	vmul.f32 v5, v14;
	v14 =	vperm.xlane v0, v6  }
0x6c: {  	v2 =	vadd.f32 v9, v2;
	v9 =	vperm.xlane v0, v12;
	v7 =	vmul.f32 v7, v10  }
0x6d: {  	[tilespmem:s12+$0xFFFFFFE0] =	vst v13;
	v6 =	vperm.xlane v1, v6;
	v5 =	vadd.f32 v5, v11;
	v3 =	vmul.f32 v3, v14  }
0x6e: {  	s13 =	sadd.s32 $0x40, s12;
	[tilespmem:s12+$0x0] =	vst v2;
	v10 =	vperm.xlane v1, v12;
	v2 =	vmul.f32 v8, v9;
	v4 =	vadd.f32 v7, v4  }
0x6f: {  	[tilespmem:s13+$0x10] =	vst v5;
	v3 =	vadd.f32 v3, v6  }
0x70: {  	s14 =	sadd.s32 s17, s21;
	s12 =	smul.u32 $0x3E8, s11;
	v2 =	vadd.f32 v2, v10;
	[tilespmem:s13+$0xFFFFFFF0] =	vst v4  }
0x71: {  	p1 =	sgt.u32 s14, $0x270;
	[tilespmem:s13+$0xFFFFFFE0] =	vst v3  }
0x72: {  	s14 =	smul.u32 @!p1 $0x3E8, s14;
	s24 =	sadd.s32 s6, s12;
	[tilespmem:s13+$0x0] =	vst v2  }
0x73: {  	[hbm4b:s24+s8] =	stream.linear.scatter [tilespmem:s26], [sflag:$0x9], $0x1F40, $0x38;
	[tilespmem:$0x17B00] =	vst v63  }
0x74: {  	s15 =	simm.s32 @!p1 $0x0;
	s13 =	sadd.s32 @!p1 s0, s14;
	s24 =	simm.s32 @!p1 $0x100  }
0x75: {  	[tilespmem:s24], [sflag:$0x1] =	stream.linear.gather @!p1 [hbm4b:s13+s15], $0x1F40, $0x38;
	[tilespmem:$0x17B00] =	vst v63  }
0x76: {  	s13 =	sadd.s32 @!p1 s2, s14;
	s14 =	simm.s32 @!p1 $0x7F00  }
0x77: {  	[tilespmem:s14], [sflag:$0x5] =	stream.linear.gather @!p1 [hbm4b:s13+s15], $0x1F40, $0x38;
	[tilespmem:$0x17B00] =	vst v63  }
0x78: {  	_ =	swait.ge [sflag:s28], $0x1F40  }
0x79: {  	[sflag:s28] =	ssyncset.done $0x0  }
0x7a: {  	[sflag:s28] =	ssyncadd.s32 $0xFFFFE0C0  }
0x7b: {  	_ =	swait.ge [sflag:s29], $0x1F40  }
0x7c: {  	[sflag:s29] =	ssyncset.done $0x0  }
0x7d: {  	s13 =	simm.s32 @!p0 $0xA;
	[sflag:s29] =	ssyncadd.s32 $0xFFFFE0C0  }
0x7e: {  	_ =	swait.ge @!p0 [sflag:s13], $0x1F40  }
0x7f: {  	[sflag:s13] =	ssyncset.done @!p0 $0x0  }
0x80: {  	s14 =	simm.s32 $0x9EA0;
	[sflag:s13] =	ssyncadd.s32 @!p0 $0xFFFFE0C0  }
0x81: {  	v2 =	vld [tilespmem:s14+$0x10]  }
0x82: {  	v3 =	vld [tilespmem:s14+$0xFFFFFFF0]  }
0x83: {  	v6 =	vld [tilespmem:s14+$0xFFFFFFE0]  }
0x84: {  	s15 =	simm.s32 $0x20A0;
	v4 =	vld [tilespmem:s14+$0x0]  }
0x85: {  	v5 =	vld [tilespmem:s15+$0x10]  }
0x86: {  	v7 =	vld [tilespmem:s15+$0xFFFFFFE0]  }
0x87: {  	v8 =	vld [tilespmem:s15+$0xFFFFFFF0];
	v2 =	vand.u32 $0xF, v2  }
0x88: {  	s24 =	simm.s32 $0x9EE0;
	v10 =	vld [tilespmem:s15+$0x0];
	v3 =	vand.u32 $0xF, v3;
	v6 =	vand.u32 $0xF, v6;
	v9 =	vperm.xlane v0, v2  }
0x89: {  	v11 =	vperm.xlane v0, v3;
	v12 =	vperm.xlane v1, v3;
	v3 =	vand.u32 $0xF, v4;
	v4 =	vld [tilespmem:s24+$0x10]  }
0x8a: {  	v14 =	vld [tilespmem:s24+$0xFFFFFFF0];
	v13 =	vperm.xlane v1, v2;
	v17 =	vperm.xlane v0, v6  }
0x8b: {  	v16 =	vld [tilespmem:s24+$0x0];
	s14 =	simm.s32 $0x20E0;
	v18 =	vperm.xlane v1, v6;
	v9 =	vmul.f32 v5, v9  }
0x8c: {  	v15 =	vperm.xlane v0, v3;
	v8 =	vmul.f32 v8, v11;
	v5 =	vld [tilespmem:s14+$0x10]  }
0x8d: {  	v6 =	vld [tilespmem:s24+$0xFFFFFFE0];
	v2 =	vperm.xlane v1, v3;
	v17 =	vmul.f32 v7, v17;
	v13 =	vadd.f32 v9, v13  }
0x8e: {  	s13 =	simm.s32 $0x11CA0;
	v3 =	vld [tilespmem:s14+$0xFFFFFFE0];
	v9 =	vmul.f32 v10, v15;
	v15 =	vadd.f32 v8, v12;
	v11 =	vand.u32 $0xF, v4  }
0x8f: {  	v7 =	vld [tilespmem:s14+$0xFFFFFFF0];
	v4 =	vand.u32 $0xF, v14;
	[tilespmem:s13+$0x10] =	vst v13;
	v14 =	vperm.xlane v0, v11;
	v13 =	vadd.f32 v17, v18  }
0x90: {  	s15 =	simm.s32 $0x9F20;
	s24 =	simm.s32 $0x40;
	v12 =	vand.u32 $0xF, v16;
	v8 =	vld [tilespmem:s14+$0x0];
	v10 =	vperm.xlane v0, v4;
	v4 =	vperm.xlane v1, v4;
	[tilespmem:s13+$0xFFFFFFF0] =	vst v15  }
.LBB2_5:
0x91: {  	v15 =	vld [tilespmem:s15+$0x10];
	s24 =	sadd.s32 $0x40, s24;
	v11 =	vperm.xlane v1, v11;
	v5 =	vmul.f32 v5, v14;
	[tilespmem:s13+$0xFFFFFFE0] =	vst v13;
	v9 =	vadd.f32 v9, v2  }
0x92: {  	v14 =	vperm.xlane v0, v12;
	v2 =	vperm.xlane v1, v12;
	v13 =	vld [tilespmem:s15+$0xFFFFFFF0];
	p1 =	slt.u32 s24, $0x1F00;
	v6 =	vand.u32 $0xF, v6  }
0x93: {  	s14 =	sadd.s32 $0x40, s14;
	v12 =	vld [tilespmem:s15+$0x0];
	v16 =	vperm.xlane v0, v6;
	v17 =	vperm.xlane v1, v6;
	v11 =	vadd.f32 v5, v11;
	[tilespmem:s13+$0x0] =	vst v9  }
.Ltmp5:
0x94: {  	s13 =	sadd.s32 $0x40, s13;
	v5 =	vld [tilespmem:s14+$0x10];
	v7 =	vmul.f32 v7, v10;
	(pc) =	sbr.rel @p1 .LBB2_5-.Ltmp5, $4  }
0x95: {  	v6 =	vld [tilespmem:s15+$0xFFFFFFE0];
	v10 =	vmul.f32 v3, v16;
	v9 =	vmul.f32 v8, v14;
	[tilespmem:s13+$0x10] =	vst v11  }
0x96: {  	v3 =	vld [tilespmem:s14+$0xFFFFFFE0];
	v11 =	vand.u32 $0xF, v15;
	v15 =	vadd.f32 v7, v4  }
0x97: {  	v4 =	vand.u32 $0xF, v13;
	v7 =	vld [tilespmem:s14+$0xFFFFFFF0];
	v14 =	vperm.xlane v0, v11;
	v13 =	vadd.f32 v10, v17  }
0x98: {  	s15 =	sadd.s32 $0x40, s15;
	v10 =	vperm.xlane v0, v4;
	v4 =	vperm.xlane v1, v4;
	v12 =	vand.u32 $0xF, v12;
	v8 =	vld [tilespmem:s14+$0x0];
	[tilespmem:s13+$0xFFFFFFF0] =	vst v15  }
0x99: {  	_ = 	snop  }
0x9a: {  	v11 =	vperm.xlane v1, v11;
	v6 =	vand.u32 $0xF, v6  }
0x9b: {  	v5 =	vmul.f32 v5, v14;
	v14 =	vperm.xlane v0, v6  }
0x9c: {  	v2 =	vadd.f32 v9, v2;
	v9 =	vperm.xlane v0, v12;
	v7 =	vmul.f32 v7, v10  }
0x9d: {  	[tilespmem:s13+$0xFFFFFFE0] =	vst v13;
	v6 =	vperm.xlane v1, v6;
	v5 =	vadd.f32 v5, v11;
	v3 =	vmul.f32 v3, v14  }
0x9e: {  	s15 =	sadd.s32 $0x40, s13;
	[tilespmem:s13+$0x0] =	vst v2;
	v10 =	vperm.xlane v1, v12;
	v2 =	vmul.f32 v8, v9;
	v4 =	vadd.f32 v7, v4  }
0x9f: {  	[tilespmem:s15+$0x10] =	vst v5;
	v3 =	vadd.f32 v3, v6  }
0xa0: {  	s14 =	sadd.s32 s18, s21;
	v2 =	vadd.f32 v2, v10;
	[tilespmem:s15+$0xFFFFFFF0] =	vst v4  }
0xa1: {  	p1 =	sgt.u32 s14, $0x270;
	[tilespmem:s15+$0xFFFFFFE0] =	vst v3  }
0xa2: {  	s24 =	sadd.s32 s22, s12;
	s14 =	smul.u32 @!p1 $0x3E8, s14;
	[tilespmem:s15+$0x0] =	vst v2  }
0xa3: {  	[hbm4b:s24+s8] =	stream.linear.scatter [tilespmem:s30], [sflag:$0xA], $0x1F40, $0x38;
	[tilespmem:$0x17B00] =	vst v63  }
0xa4: {  	s13 =	sadd.s32 @!p1 s0, s14;
	s15 =	simm.s32 @!p1 $0x0;
	s24 =	simm.s32 @!p1 $0x2080  }
0xa5: {  	[tilespmem:s24], [sflag:$0x2] =	stream.linear.gather @!p1 [hbm4b:s13+s15], $0x1F40, $0x38;
	[tilespmem:$0x17B00] =	vst v63  }
0xa6: {  	s13 =	sadd.s32 @!p1 s2, s14;
	s14 =	simm.s32 @!p1 $0x9E80  }
0xa7: {  	[tilespmem:s14], [sflag:$0x6] =	stream.linear.gather @!p1 [hbm4b:s13+s15], $0x1F40, $0x38;
	[tilespmem:$0x17B00] =	vst v63  }
0xa8: {  	_ =	swait.ge [sflag:s31], $0x1F40  }
0xa9: {  	[sflag:s31] =	ssyncset.done $0x0  }
0xaa: {  	[sflag:s31] =	ssyncadd.s32 $0xFFFFE0C0  }
0xab: {  	_ =	swait.ge [sflag:s4], $0x1F40  }
0xac: {  	[sflag:s4] =	ssyncset.done $0x0  }
0xad: {  	s13 =	simm.s32 @!p0 $0xB;
	[sflag:s4] =	ssyncadd.s32 $0xFFFFE0C0  }
0xae: {  	_ =	swait.ge @!p0 [sflag:s13], $0x1F40  }
0xaf: {  	[sflag:s13] =	ssyncset.done @!p0 $0x0  }
0xb0: {  	s14 =	simm.s32 $0xBE20;
	[sflag:s13] =	ssyncadd.s32 @!p0 $0xFFFFE0C0  }
0xb1: {  	v2 =	vld [tilespmem:s14+$0x10]  }
0xb2: {  	v3 =	vld [tilespmem:s14+$0xFFFFFFF0]  }
0xb3: {  	v6 =	vld [tilespmem:s14+$0xFFFFFFE0]  }
0xb4: {  	s15 =	simm.s32 $0x4020;
	v4 =	vld [tilespmem:s14+$0x0]  }
0xb5: {  	v5 =	vld [tilespmem:s15+$0x10]  }
0xb6: {  	v7 =	vld [tilespmem:s15+$0xFFFFFFE0]  }
0xb7: {  	v8 =	vld [tilespmem:s15+$0xFFFFFFF0];
	v2 =	vand.u32 $0xF, v2  }
0xb8: {  	s24 =	simm.s32 $0xBE60;
	v10 =	vld [tilespmem:s15+$0x0];
	v3 =	vand.u32 $0xF, v3;
	v6 =	vand.u32 $0xF, v6;
	v9 =	vperm.xlane v0, v2  }
0xb9: {  	v11 =	vperm.xlane v0, v3;
	v12 =	vperm.xlane v1, v3;
	v3 =	vand.u32 $0xF, v4;
	v4 =	vld [tilespmem:s24+$0x10]  }
0xba: {  	v14 =	vld [tilespmem:s24+$0xFFFFFFF0];
	v13 =	vperm.xlane v1, v2;
	v17 =	vperm.xlane v0, v6  }
0xbb: {  	v16 =	vld [tilespmem:s24+$0x0];
	s14 =	simm.s32 $0x4060;
	v18 =	vperm.xlane v1, v6;
	v9 =	vmul.f32 v5, v9  }
0xbc: {  	v15 =	vperm.xlane v0, v3;
	v8 =	vmul.f32 v8, v11;
	v5 =	vld [tilespmem:s14+$0x10]  }
0xbd: {  	v6 =	vld [tilespmem:s24+$0xFFFFFFE0];
	v2 =	vperm.xlane v1, v3;
	v17 =	vmul.f32 v7, v17;
	v13 =	vadd.f32 v9, v13  }
0xbe: {  	s13 =	simm.s32 $0x13C20;
	v3 =	vld [tilespmem:s14+$0xFFFFFFE0];
	v9 =	vmul.f32 v10, v15;
	v15 =	vadd.f32 v8, v12;
	v11 =	vand.u32 $0xF, v4  }
0xbf: {  	v7 =	vld [tilespmem:s14+$0xFFFFFFF0];
	v4 =	vand.u32 $0xF, v14;
	[tilespmem:s13+$0x10] =	vst v13;
	v14 =	vperm.xlane v0, v11;
	v13 =	vadd.f32 v17, v18  }
0xc0: {  	s15 =	simm.s32 $0xBEA0;
	s24 =	simm.s32 $0x40;
	v12 =	vand.u32 $0xF, v16;
	v8 =	vld [tilespmem:s14+$0x0];
	v10 =	vperm.xlane v0, v4;
	v4 =	vperm.xlane v1, v4;
	[tilespmem:s13+$0xFFFFFFF0] =	vst v15  }
.LBB2_7:
0xc1: {  	v15 =	vld [tilespmem:s15+$0x10];
	s24 =	sadd.s32 $0x40, s24;
	v11 =	vperm.xlane v1, v11;
	v5 =	vmul.f32 v5, v14;
	[tilespmem:s13+$0xFFFFFFE0] =	vst v13;
	v9 =	vadd.f32 v9, v2  }
0xc2: {  	v14 =	vperm.xlane v0, v12;
	v2 =	vperm.xlane v1, v12;
	v13 =	vld [tilespmem:s15+$0xFFFFFFF0];
	p1 =	slt.u32 s24, $0x1F00;
	v6 =	vand.u32 $0xF, v6  }
0xc3: {  	s14 =	sadd.s32 $0x40, s14;
	v12 =	vld [tilespmem:s15+$0x0];
	v16 =	vperm.xlane v0, v6;
	v17 =	vperm.xlane v1, v6;
	v11 =	vadd.f32 v5, v11;
	[tilespmem:s13+$0x0] =	vst v9  }
.Ltmp6:
0xc4: {  	s13 =	sadd.s32 $0x40, s13;
	v5 =	vld [tilespmem:s14+$0x10];
	v7 =	vmul.f32 v7, v10;
	(pc) =	sbr.rel @p1 .LBB2_7-.Ltmp6, $4  }
0xc5: {  	v6 =	vld [tilespmem:s15+$0xFFFFFFE0];
	v10 =	vmul.f32 v3, v16;
	v9 =	vmul.f32 v8, v14;
	[tilespmem:s13+$0x10] =	vst v11  }
0xc6: {  	v3 =	vld [tilespmem:s14+$0xFFFFFFE0];
	v11 =	vand.u32 $0xF, v15;
	v15 =	vadd.f32 v7, v4  }
0xc7: {  	v4 =	vand.u32 $0xF, v13;
	v7 =	vld [tilespmem:s14+$0xFFFFFFF0];
	v14 =	vperm.xlane v0, v11;
	v13 =	vadd.f32 v10, v17  }
0xc8: {  	s15 =	sadd.s32 $0x40, s15;
	v10 =	vperm.xlane v0, v4;
	v4 =	vperm.xlane v1, v4;
	v12 =	vand.u32 $0xF, v12;
	v8 =	vld [tilespmem:s14+$0x0];
	[tilespmem:s13+$0xFFFFFFF0] =	vst v15  }
0xc9: {  	_ = 	snop  }
0xca: {  	v11 =	vperm.xlane v1, v11;
	v6 =	vand.u32 $0xF, v6  }
0xcb: {  	v5 =	vmul.f32 v5, v14;
	v61 =	vperm.xlane v0, v6  }
0xcc: {  	v2 =	vadd.f32 v9, v2;
	v62 =	vperm.xlane v0, v12;
	v7 =	vmul.f32 v7, v10  }
0xcd: {  	[tilespmem:s13+$0xFFFFFFE0] =	vst v13;
	v6 =	vperm.xlane v1, v6;
	v5 =	vadd.f32 v5, v11;
	v3 =	vmul.f32 v3, v61  }
0xce: {  	v63 =	vperm.xlane v1, v12;
	s24 =	sadd.s32 $0x40, s13;
	[tilespmem:s13+$0x0] =	vst v2;
	v2 =	vmul.f32 v8, v62;
	v4 =	vadd.f32 v7, v4  }
0xcf: {  	[tilespmem:s24+$0x10] =	vst v5;
	v3 =	vadd.f32 v3, v6  }
0xd0: {  	s14 =	sadd.s32 s19, s21;
	v2 =	vadd.f32 v2, v63;
	[tilespmem:s24+$0xFFFFFFF0] =	vst v4  }
0xd1: {  	p1 =	sgt.u32 s14, $0x270;
	[tilespmem:s24+$0xFFFFFFE0] =	vst v3  }
0xd2: {  	s12 =	sadd.s32 s23, s12;
	s13 =	smul.u32 @!p1 $0x3E8, s14;
	[tilespmem:s24+$0x0] =	vst v2  }
0xd3: {  	[hbm4b:s12+s8] =	stream.linear.scatter [tilespmem:s1], [sflag:$0xB], $0x1F40, $0x38;
	[tilespmem:$0x17B00] =	vst v63  }
0xd4: {  	s14 =	simm.s32 @!p1 $0x0;
	s15 =	simm.s32 @!p1 $0x4000;
	s12 =	sadd.s32 @!p1 s0, s13  }
0xd5: {  	[tilespmem:s15], [sflag:$0x3] =	stream.linear.gather @!p1 [hbm4b:s12+s14], $0x1F40, $0x38;
	[tilespmem:$0x17B00] =	vst v63  }
0xd6: {  	s11 =	sor.u32 $0x60, s11;
	s12 =	sadd.s32 @!p1 s2, s13;
	s13 =	simm.s32 @!p1 $0xBE00  }
0xd7: {  	[tilespmem:s13], [sflag:$0x7] =	stream.linear.gather @!p1 [hbm4b:s12+s14], $0x1F40, $0x38;
	[tilespmem:$0x17B00] =	vst v63  }
0xd8: {  	p1 =	sgt.u32 s11, $0x270  }
.Ltmp7:
0xd9: {  	_ = 	snop;
	(pc) =	sbr.rel @p1 .LBB2_12-.Ltmp7, $1  }
0xda: {  	_ =	sdelay $0x3  }
0xdb: {  	_ =	swait.ge [sflag:s3], $0x1F40  }
0xdc: {  	[sflag:s3] =	ssyncset.done $0x0  }
0xdd: {  	[sflag:s3] =	ssyncadd.s32 $0xFFFFE0C0  }
0xde: {  	_ =	swait.ge [sflag:s9], $0x1F40  }
0xdf: {  	[sflag:s9] =	ssyncset.done $0x0  }
0xe0: {  	s12 =	simm.s32 @!p0 $0xC;
	[sflag:s9] =	ssyncadd.s32 $0xFFFFE0C0  }
0xe1: {  	_ =	swait.ge @!p0 [sflag:s12], $0x1F40  }
0xe2: {  	[sflag:s12] =	ssyncset.done @!p0 $0x0  }
0xe3: {  	s15 =	simm.s32 $0xDDA0;
	[sflag:s12] =	ssyncadd.s32 @!p0 $0xFFFFE0C0  }
0xe4: {  	v2 =	vld [tilespmem:s15+$0x10]  }
0xe5: {  	v3 =	vld [tilespmem:s15+$0xFFFFFFF0]  }
0xe6: {  	v6 =	vld [tilespmem:s15+$0xFFFFFFE0]  }
0xe7: {  	s13 =	simm.s32 $0x5FA0;
	v4 =	vld [tilespmem:s15+$0x0]  }
0xe8: {  	v5 =	vld [tilespmem:s13+$0x10]  }
0xe9: {  	v7 =	vld [tilespmem:s13+$0xFFFFFFE0]  }
0xea: {  	v8 =	vld [tilespmem:s13+$0xFFFFFFF0];
	v2 =	vand.u32 $0xF, v2  }
0xeb: {  	s24 =	simm.s32 $0xDDE0;
	v10 =	vld [tilespmem:s13+$0x0];
	v3 =	vand.u32 $0xF, v3;
	v6 =	vand.u32 $0xF, v6;
	v9 =	vperm.xlane v0, v2  }
0xec: {  	v11 =	vperm.xlane v0, v3;
	v12 =	vperm.xlane v1, v3;
	v3 =	vand.u32 $0xF, v4;
	v4 =	vld [tilespmem:s24+$0x10]  }
0xed: {  	v14 =	vld [tilespmem:s24+$0xFFFFFFF0];
	v13 =	vperm.xlane v1, v2;
	v17 =	vperm.xlane v0, v6  }
0xee: {  	v16 =	vld [tilespmem:s24+$0x0];
	s13 =	simm.s32 $0x5FE0;
	v18 =	vperm.xlane v1, v6;
	v9 =	vmul.f32 v5, v9  }
0xef: {  	v15 =	vperm.xlane v0, v3;
	v8 =	vmul.f32 v8, v11;
	v5 =	vld [tilespmem:s13+$0x10]  }
0xf0: {  	v6 =	vld [tilespmem:s24+$0xFFFFFFE0];
	v2 =	vperm.xlane v1, v3;
	v17 =	vmul.f32 v7, v17;
	v13 =	vadd.f32 v9, v13  }
0xf1: {  	s12 =	simm.s32 $0x15BA0;
	v3 =	vld [tilespmem:s13+$0xFFFFFFE0];
	v9 =	vmul.f32 v10, v15;
	v15 =	vadd.f32 v8, v12;
	v11 =	vand.u32 $0xF, v4  }
0xf2: {  	v7 =	vld [tilespmem:s13+$0xFFFFFFF0];
	v4 =	vand.u32 $0xF, v14;
	[tilespmem:s12+$0x10] =	vst v13;
	v14 =	vperm.xlane v0, v11;
	v13 =	vadd.f32 v17, v18  }
0xf3: {  	s14 =	simm.s32 $0x40;
	s15 =	simm.s32 $0xDE20;
	v12 =	vand.u32 $0xF, v16;
	v8 =	vld [tilespmem:s13+$0x0];
	v10 =	vperm.xlane v0, v4;
	v4 =	vperm.xlane v1, v4;
	[tilespmem:s12+$0xFFFFFFF0] =	vst v15  }
.LBB2_10:
0xf4: {  	v15 =	vld [tilespmem:s15+$0x10];
	s14 =	sadd.s32 $0x40, s14;
	v11 =	vperm.xlane v1, v11;
	v5 =	vmul.f32 v5, v14;
	[tilespmem:s12+$0xFFFFFFE0] =	vst v13;
	v9 =	vadd.f32 v9, v2  }
0xf5: {  	v14 =	vperm.xlane v0, v12;
	v2 =	vperm.xlane v1, v12;
	v13 =	vld [tilespmem:s15+$0xFFFFFFF0];
	p0 =	slt.u32 s14, $0x1F00;
	v6 =	vand.u32 $0xF, v6  }
0xf6: {  	s13 =	sadd.s32 $0x40, s13;
	v12 =	vld [tilespmem:s15+$0x0];
	v16 =	vperm.xlane v0, v6;
	v17 =	vperm.xlane v1, v6;
	v11 =	vadd.f32 v5, v11;
	[tilespmem:s12+$0x0] =	vst v9  }
.Ltmp8:
0xf7: {  	s12 =	sadd.s32 $0x40, s12;
	v5 =	vld [tilespmem:s13+$0x10];
	v7 =	vmul.f32 v7, v10;
	(pc) =	sbr.rel @p0 .LBB2_10-.Ltmp8, $4  }
0xf8: {  	v6 =	vld [tilespmem:s15+$0xFFFFFFE0];
	v10 =	vmul.f32 v3, v16;
	v9 =	vmul.f32 v8, v14;
	[tilespmem:s12+$0x10] =	vst v11  }
0xf9: {  	v3 =	vld [tilespmem:s13+$0xFFFFFFE0];
	v11 =	vand.u32 $0xF, v15;
	v15 =	vadd.f32 v7, v4  }
0xfa: {  	v4 =	vand.u32 $0xF, v13;
	v7 =	vld [tilespmem:s13+$0xFFFFFFF0];
	v14 =	vperm.xlane v0, v11;
	v13 =	vadd.f32 v10, v17  }
0xfb: {  	s15 =	sadd.s32 $0x40, s15;
	v10 =	vperm.xlane v0, v4;
	v4 =	vperm.xlane v1, v4;
	v12 =	vand.u32 $0xF, v12;
	v8 =	vld [tilespmem:s13+$0x0];
	[tilespmem:s12+$0xFFFFFFF0] =	vst v15  }
0xfc: {  	_ = 	snop  }
0xfd: {  	v11 =	vperm.xlane v1, v11;
	v6 =	vand.u32 $0xF, v6  }
0xfe: {  	v5 =	vmul.f32 v5, v14;
	v61 =	vperm.xlane v0, v6  }
0xff: {  	v2 =	vadd.f32 v9, v2;
	v62 =	vperm.xlane v0, v12;
	v7 =	vmul.f32 v7, v10  }
0x100: {  	[tilespmem:s12+$0xFFFFFFE0] =	vst v13;
	v6 =	vperm.xlane v1, v6;
	v5 =	vadd.f32 v5, v11;
	v3 =	vmul.f32 v3, v61  }
0x101: {  	v63 =	vperm.xlane v1, v12;
	s24 =	sadd.s32 $0x40, s12;
	[tilespmem:s12+$0x0] =	vst v2;
	v2 =	vmul.f32 v8, v62;
	v4 =	vadd.f32 v7, v4  }
0x102: {  	[tilespmem:s24+$0x10] =	vst v5;
	v3 =	vadd.f32 v3, v6  }
0x103: {  	s11 =	smul.u32 $0x3E8, s11;
	s13 =	sadd.s32 s20, s21;
	v2 =	vadd.f32 v2, v63;
	[tilespmem:s24+$0xFFFFFFF0] =	vst v4  }
0x104: {  	p0 =	sgt.u32 s13, $0x270;
	[tilespmem:s24+$0xFFFFFFE0] =	vst v3  }
0x105: {  	s11 =	sadd.s32 s6, s11;
	s12 =	smul.u32 @!p0 $0x3E8, s13;
	[tilespmem:s24+$0x0] =	vst v2  }
0x106: {  	[hbm4b:s11+s8] =	stream.linear.scatter [tilespmem:s10], [sflag:$0xC], $0x1F40, $0x38;
	[tilespmem:$0x17B00] =	vst v63  }
.Ltmp9:
0x107: {  	_ = 	snop;
	(pc) =	sbr.rel .LBB2_12-.Ltmp9, $4  }
0x108: {  	s13 =	simm.s32 @!p0 $0x0;
	s14 =	simm.s32 @!p0 $0x5F80;
	s11 =	sadd.s32 @!p0 s0, s12  }
0x109: {  	[tilespmem:s14], [sflag:$0x4] =	stream.linear.gather @!p0 [hbm4b:s11+s13], $0x1F40, $0x38;
	[tilespmem:$0x17B00] =	vst v63  }
0x10a: {  	s11 =	sadd.s32 @!p0 s2, s12;
	s12 =	simm.s32 @!p0 $0xDD80  }
0x10b: {  	[tilespmem:s12], [sflag:$0x8] =	stream.linear.gather @!p0 [hbm4b:s11+s13], $0x1F40, $0x38;
	[tilespmem:$0x17B00] =	vst v63  }
.LBB2_14:
0x10c: {  	_ =	sfence.sel $0x180000  }
0x10d: {  	[bflag:$0x0] =	sbarrier.arrive $0xFFFF  }
0x10e: {  	_ =	strace $0x90000047  }
0x10f: {  	s0 =	stileid.u32;
	[bflag:$0x2] =	sbarrier.arrive $0xFFFF  }
0x110: {  	p0 =	sne.s32 s0, $0x0;
	s0 =	rddreg [dreg:$0x5]  }
0x111: {  	s0 =	sadd.s32 @!p0 $0x100000, s0  }
0x112: {  	[sflag:s0] =	ssyncadd.tile.s32 @!p0 $0x1;
	_ =	shalt  }
.Lfunc_end2:
_tile_overlayer_lowered:
.L_overlay_start_2:
0x113: {  	(tag) =	ssettag $0x2  }
0x114: {  	s0 =	rddreg [dreg:$0x0];
	s2 =	stileid.u32  }
0x115: {  	s1 =	rddreg [dreg:$0x1];
	p0 =	sne.s32 s2, $0x0  }
0x116: {  	s3 =	rddreg [dreg:$0x2];
	[bflag:$0x3] =	sbarrier.arrive $0xFFFF;
	s2 =	simm.s32 @!p0 $0x1C0D  }
0x117: {  	[timem:s3], [sflag:s2] =	dma.local @!p0 [hbm:s0], s1  }
0x118: {  	s0 =	simm.s32 @!p0 $0xD  }
0x119: {  	_ =	swait.ge @!p0 [sflag:s0], s1  }
0x11a: {  	s1 =	ssub.s32 @!p0 $0x0, s1;
	[sflag:s0] =	ssyncset.done @!p0 $0x0  }
0x11b: {  	[sflag:s0] =	ssyncadd.s32 @!p0 s1  }
0x11c: {  	[bflag:$0x3] =	sbarrier.arrive $0xFFFF  }
0x11d: {  	_ =	shalt  }

</sc_bundles>
